<compile_context>
chip_gen: v7x
topology: tpu7x:2x2x1
jax: 0.10.2.dev20260603
libtpu: 0.0.44.dev20260713+nightly
codegen_flags: <defaults>
</compile_context>

<pallas_src>
import functools

import jax
import jax.numpy as jnp
from jax import lax
from jax.experimental import pallas as pl
from jax.experimental.pallas import tpu as pltpu
from jax.experimental.pallas import tpu_sc as plsc



def _pq_body(h_ref, a_ref, b_ref, b1_ref, p_ref, q_ref):
    hb = h_ref[...]
    p_ref[...] = jnp.dot(hb, a_ref[...], preferred_element_type=jnp.float32)
    q_ref[...] = (jnp.dot(hb, b_ref[...], preferred_element_type=jnp.float32)
                  + b1_ref[0])


def _r_body(ef_ref, c_ref, r_ref):
    r_ref[...] = jnp.dot(ef_ref[...], c_ref[...],
                         preferred_element_type=jnp.float32)



_CB = 80
_D_HALF = 128
_NSUB = 16


def _zero_acc(acc, zrows, s, rows_per_sub, extra):
    rowbase = s * rows_per_sub
    nfull = rows_per_sub // _CB
    rem = rows_per_sub - nfull * _CB

    def zchunk(j, carry):
        pltpu.sync_copy(zrows, acc.at[pl.ds(rowbase + j * _CB, _CB)])
        return carry

    lax.fori_loop(0, nfull, zchunk, 0)
    if rem:
        pltpu.sync_copy(zrows.at[pl.ds(0, rem)],
                        acc.at[pl.ds(rowbase + nfull * _CB, rem)])
    if extra:
        @pl.when(s == _NSUB - 1)
        def _zx():
            pltpu.sync_copy(zrows.at[pl.ds(0, extra)],
                            acc.at[pl.ds(_NSUB * rows_per_sub, extra)])


def _write_acc(acc, out_hbm, bounce, s, out_off, rows_per_sub, extra):
    rowbase = s * rows_per_sub
    nfull = rows_per_sub // _CB
    rem = rows_per_sub - nfull * _CB

    def wchunk(j, carry):
        pltpu.sync_copy(acc.at[pl.ds(rowbase + j * _CB, _CB)], bounce)
        pltpu.sync_copy(bounce,
                        out_hbm.at[pl.ds(out_off + rowbase + j * _CB, _CB)])
        return carry

    lax.fori_loop(0, nfull, wchunk, 0)
    if rem:
        o = rowbase + nfull * _CB
        pltpu.sync_copy(acc.at[pl.ds(o, rem)], bounce.at[pl.ds(0, rem)])
        pltpu.sync_copy(bounce.at[pl.ds(0, rem)],
                        out_hbm.at[pl.ds(out_off + o, rem)])
    if extra:
        @pl.when(s == _NSUB - 1)
        def _wx():
            tb = _NSUB * rows_per_sub
            pltpu.sync_copy(acc.at[pl.ds(tb, extra)],
                            bounce.at[pl.ds(0, extra)])
            pltpu.sync_copy(bounce.at[pl.ds(0, extra)],
                            out_hbm.at[pl.ds(out_off + tb, extra)])


def _edge_body(n_nodes, n_edges, ptab, qtab, rtab, src_hbm, dst_hbm,
               s_out, s_sh, pbuf, qbuf, rbuf, srcbuf, dstbuf, gsidx, gdidx,
               sem_p, sem_q):
    c = lax.axis_index("c")
    s = lax.axis_index("s")
    epw = n_edges // _NSUB
    chunks = epw // _CB
    rows_per_sub = (n_nodes // _NSUB) // 8 * 8
    extra = n_nodes - rows_per_sub * _NSUB

    zeros16 = jnp.zeros((16,), jnp.float32)

    def init_row(i, carry):
        for j in range(_D_HALF // 16):
            pbuf[i, pl.ds(j * 16, 16)] = zeros16
        return carry

    lax.fori_loop(0, _CB, init_row, 0)
    _zero_acc(s_sh, pbuf, s, rows_per_sub, extra)
    plsc.subcore_barrier()

    ebase = s * epw
    c_off = c * n_nodes

    def chunk(k, carry):
        b = ebase + k * _CB
        pltpu.sync_copy(src_hbm.at[pl.ds(b, _CB)], srcbuf)
        pltpu.sync_copy(dst_hbm.at[pl.ds(b, _CB)], dstbuf)
        for j in range(_CB // 16):
            sl = pl.ds(j * 16, 16)
            gsidx[sl] = srcbuf[sl] + c_off
            gdidx[sl] = dstbuf[sl] + c_off
        cp = pltpu.async_copy(ptab.at[gsidx], pbuf, sem_p)
        cq = pltpu.async_copy(qtab.at[gdidx], qbuf, sem_q)
        pltpu.sync_copy(rtab.at[pl.ds(c * n_edges + b, _CB)], rbuf)
        cp.wait()
        cq.wait()

        def row(i, rc):
            for j in range(_D_HALF // 16):
                sl = pl.ds(j * 16, 16)
                z = pbuf[i, sl] + qbuf[i, sl] + rbuf[i, sl]
                pbuf[i, sl] = z / (1.0 + jnp.exp(-z))
            return rc

        lax.fori_loop(0, _CB, row, 0)
        pltpu.sync_copy(pbuf, s_sh.at[dstbuf], add=True)
        return carry

    lax.fori_loop(0, chunks, chunk, 0)
    plsc.subcore_barrier()
    _write_acc(s_sh, s_out, pbuf, s, c_off, rows_per_sub, extra)


def _deg_body(n_nodes, n_edges, dst_hbm, deg_out, deg_sh, pbuf, onesbuf,
              dstbuf, tdst):
    c = lax.axis_index("c")
    s = lax.axis_index("s")
    epw = n_edges // (2 * _NSUB)
    chunks = epw // _CB
    tail = epw - chunks * _CB
    rows_per_sub = (n_nodes // _NSUB) // 8 * 8
    extra = n_nodes - rows_per_sub * _NSUB

    zeros16 = jnp.zeros((16,), jnp.float32)
    ones16 = jnp.ones((16,), jnp.float32)

    def init_row(i, carry):
        for j in range(_D_HALF // 16):
            sl = pl.ds(j * 16, 16)
            pbuf[i, sl] = zeros16
            onesbuf[i, sl] = ones16
        return carry

    lax.fori_loop(0, _CB, init_row, 0)
    _zero_acc(deg_sh, pbuf, s, rows_per_sub, extra)
    plsc.subcore_barrier()

    ebase = (c * _NSUB + s) * epw

    def chunk(k, carry):
        pltpu.sync_copy(dst_hbm.at[pl.ds(ebase + k * _CB, _CB)], dstbuf)
        pltpu.sync_copy(onesbuf, deg_sh.at[dstbuf], add=True)
        return carry

    lax.fori_loop(0, chunks, chunk, 0)
    if tail:
        pltpu.sync_copy(dst_hbm.at[pl.ds(ebase + chunks * _CB, tail)], tdst)
        pltpu.sync_copy(onesbuf.at[pl.ds(0, tail)], deg_sh.at[tdst], add=True)
    plsc.subcore_barrier()
    _write_acc(deg_sh, deg_out, pbuf, s, c * n_nodes, rows_per_sub, extra)



def _update_body(s0_ref, s1_ref, d0_ref, d1_ref, h_ref, w2m_ref, b2m_ref,
                 w1u_ref, b1u_ref, w2u_ref, b2u_ref, g_ref, bt_ref, o_ref):
    s_full = jnp.concatenate([s0_ref[...], s1_ref[...]], axis=1)
    deg = d0_ref[:, 0:1] + d1_ref[:, 0:1]
    agg = (jnp.dot(s_full, w2m_ref[...], preferred_element_type=jnp.float32)
           + deg * b2m_ref[...])
    hb = h_ref[...]
    u1 = (jnp.dot(hb, w1u_ref[0:256, :], preferred_element_type=jnp.float32)
          + jnp.dot(agg, w1u_ref[256:512, :], preferred_element_type=jnp.float32)
          + b1u_ref[...])
    t = u1 * jax.nn.sigmoid(u1)
    h_new = jnp.dot(t, w2u_ref[...], preferred_element_type=jnp.float32) + b2u_ref[...]
    x = hb + h_new
    mu = jnp.mean(x, axis=1, keepdims=True)
    xc = x - mu
    var = jnp.mean(xc * xc, axis=1, keepdims=True)
    o_ref[...] = g_ref[...] * xc * lax.rsqrt(var + 1e-5) + bt_ref[...]


def kernel(h, edge_index, edge_feat, W1m, b1m, W2m, b2m, W1u, b1u, W2u, b2u,
           gamma, beta):
    Bx, N, D = h.shape
    E = edge_index.shape[1]
    h2 = h.reshape(N, D)
    A = W1m[0:D, :]
    B = W1m[D:2 * D, :]
    C = W1m[2 * D:, :]
    b1 = b1m.reshape(2, 1, _D_HALF)
    src = edge_index[0]
    dst = edge_index[1]
    mesh = plsc.VectorSubcoreMesh(core_axis_name="c", subcore_axis_name="s",
                                  num_cores=2, num_subcores=16)

    deg_pass = pl.kernel(
        functools.partial(_deg_body, N, E),
        out_type=jax.ShapeDtypeStruct((2 * N, _D_HALF), jnp.float32),
        mesh=mesh,
        scratch_types=[
            pltpu.VMEM_SHARED((N, _D_HALF), jnp.float32),
            pltpu.VMEM((_CB, _D_HALF), jnp.float32),
            pltpu.VMEM((_CB, _D_HALF), jnp.float32),
            pltpu.VMEM((_CB,), jnp.int32),
            pltpu.VMEM((40,), jnp.int32),
        ],
    )
    degtab = deg_pass(dst)

    BN = 400
    nb = N // BN
    ptab, qtab = pl.pallas_call(
        _pq_body,
        grid=(nb, 2),
        in_specs=[
            pl.BlockSpec((BN, D), lambda i, c: (i, 0)),
            pl.BlockSpec((D, _D_HALF), lambda i, c: (0, c)),
            pl.BlockSpec((D, _D_HALF), lambda i, c: (0, c)),
            pl.BlockSpec((1, 1, _D_HALF), lambda i, c: (c, 0, 0)),
        ],
        out_specs=[
            pl.BlockSpec((BN, _D_HALF), lambda i, c: (c * nb + i, 0)),
            pl.BlockSpec((BN, _D_HALF), lambda i, c: (c * nb + i, 0)),
        ],
        out_shape=[
            jax.ShapeDtypeStruct((2 * N, _D_HALF), jnp.float32),
            jax.ShapeDtypeStruct((2 * N, _D_HALF), jnp.float32),
        ],
    )(h2, A, B, b1)

    BE = 2000
    eb = E // BE
    rtab = pl.pallas_call(
        _r_body,
        grid=(eb, 2),
        in_specs=[
            pl.BlockSpec((BE, C.shape[0]), lambda i, c: (i, 0)),
            pl.BlockSpec((C.shape[0], _D_HALF), lambda i, c: (0, c)),
        ],
        out_specs=pl.BlockSpec((BE, _D_HALF), lambda i, c: (c * eb + i, 0)),
        out_shape=jax.ShapeDtypeStruct((2 * E, _D_HALF), jnp.float32),
    )(edge_feat, C)

    edge_pass = pl.kernel(
        functools.partial(_edge_body, N, E),
        out_type=jax.ShapeDtypeStruct((2 * N, _D_HALF), jnp.float32),
        mesh=mesh,
        scratch_types=[
            pltpu.VMEM_SHARED((N, _D_HALF), jnp.float32),
            pltpu.VMEM((_CB, _D_HALF), jnp.float32),
            pltpu.VMEM((_CB, _D_HALF), jnp.float32),
            pltpu.VMEM((_CB, _D_HALF), jnp.float32),
            pltpu.VMEM((_CB,), jnp.int32),
            pltpu.VMEM((_CB,), jnp.int32),
            pltpu.VMEM((_CB,), jnp.int32),
            pltpu.VMEM((_CB,), jnp.int32),
            pltpu.SemaphoreType.DMA,
            pltpu.SemaphoreType.DMA,
        ],
    )
    s_tab = edge_pass(ptab, qtab, rtab, src, dst)

    out2 = pl.pallas_call(
        _update_body,
        grid=(nb,),
        in_specs=[
            pl.BlockSpec((BN, _D_HALF), lambda i: (i, 0)),
            pl.BlockSpec((BN, _D_HALF), lambda i: (nb + i, 0)),
            pl.BlockSpec((BN, _D_HALF), lambda i: (i, 0)),
            pl.BlockSpec((BN, _D_HALF), lambda i: (nb + i, 0)),
            pl.BlockSpec((BN, D), lambda i: (i, 0)),
            pl.BlockSpec((D, D), lambda i: (0, 0)),
            pl.BlockSpec((1, D), lambda i: (0, 0)),
            pl.BlockSpec((2 * D, D), lambda i: (0, 0)),
            pl.BlockSpec((1, D), lambda i: (0, 0)),
            pl.BlockSpec((D, D), lambda i: (0, 0)),
            pl.BlockSpec((1, D), lambda i: (0, 0)),
            pl.BlockSpec((1, D), lambda i: (0, 0)),
            pl.BlockSpec((1, D), lambda i: (0, 0)),
        ],
        out_specs=pl.BlockSpec((BN, D), lambda i: (i, 0)),
        out_shape=jax.ShapeDtypeStruct((N, D), jnp.float32),
    )(s_tab, s_tab, degtab, degtab, h2, W2m, b2m.reshape(1, D), W1u,
      b1u.reshape(1, D), W2u, b2u.reshape(1, D), gamma.reshape(1, D),
      beta.reshape(1, D))

    return out2.reshape(Bx, N, D)

# --- scband reference (transcript-rebuilt; emitter-appended) ---
"""Pipeline reference for scband-message-passing-layer-88940182765941 (READ-ONLY COPY).

The authoritative reference and input builder live on the scoring server;
editing this copy changes nothing except your own understanding.
"""

import jax, jax.numpy as jnp
import numpy as np

B, N, D, E, DE = 1, 10000, 256, 160000, 16
MSG_IN = 2 * D + DE
UPD_IN = 2 * D

def setup_inputs(seed: int = 0) -> dict:
    key = jax.random.key(seed)
    ks = jax.random.split(key, 16)
    def lin(k, fan_in, fan_out):
        lim = 1.0 / np.sqrt(fan_in)
        kw, kb = jax.random.split(k)
        W = jax.random.uniform(kw, (fan_in, fan_out), minval=-lim, maxval=lim, dtype=jnp.float32)
        b = jax.random.uniform(kb, (fan_out,), minval=-lim, maxval=lim, dtype=jnp.float32)
        return W, b
    W1m, b1m = lin(ks[2], MSG_IN, D)
    W2m, b2m = lin(ks[3], D, D)
    W1u, b1u = lin(ks[4], UPD_IN, D)
    W2u, b2u = lin(ks[5], D, D)
    return {
        "h": jax.random.normal(ks[0], (B, N, D), dtype=jnp.float32),
        "edge_index": jax.random.randint(ks[1], (2, E), 0, N, dtype=jnp.int32),
        "edge_feat": jax.random.normal(ks[6], (E, DE), dtype=jnp.float32),
        "W1m": W1m, "b1m": b1m, "W2m": W2m, "b2m": b2m,
        "W1u": W1u, "b1u": b1u, "W2u": W2u, "b2u": b2u,
        "gamma": jnp.ones((D,), dtype=jnp.float32),
        "beta": jnp.zeros((D,), dtype=jnp.float32),
    }

def reference(h, edge_index, edge_feat, W1m, b1m, W2m, b2m, W1u, b1u, W2u, b2u, gamma, beta):
    Bx, Nx, Dx = h.shape
    src = edge_index[0]
    dst = edge_index[1]
    Ex = src.shape[0]
    h_src = h[:, src, :]
    h_dst = h[:, dst, :]
    ef = jnp.broadcast_to(edge_feat[None, :, :], (Bx, Ex, edge_feat.shape[-1]))
    msg_input = jnp.concatenate([h_src, h_dst, ef], axis=-1)
    messages = jax.nn.silu(msg_input @ W1m + b1m) @ W2m + b2m
    agg = jnp.zeros((Bx, Nx, Dx), dtype=h.dtype).at[:, dst, :].add(messages)
    u = jnp.concatenate([h, agg], axis=-1)
    h_new = jax.nn.silu(u @ W1u + b1u) @ W2u + b2u
    x = h + h_new
    mu = jnp.mean(x, axis=-1, keepdims=True)
    var = jnp.var(x, axis=-1, keepdims=True)
    return gamma * (x - mu) / jnp.sqrt(var + 1e-5) + beta

if __name__ == "__main__":
    import jax
    _d = setup_inputs()
    print(jax.jit(kernel)(*tuple(_d.values())))

</pallas_src>

<mosaic_0001>
#map = affine_map<(d0, d1) -> (0)>
#map1 = affine_map<(d0, d1) -> (0, 0)>
module attributes {stable_mosaic.version = 14 : i64} {
  func.func @_deg_body(%arg0: i32, %arg1: i32, %arg2: memref<160000xi32, #tpu.memory_space<hbm>>, %arg3: memref<20000x128xf32, #tpu.memory_space<hbm>>, %arg4: memref<10000x128xf32, #tpu.memory_space<vmem_shared>>, %arg5: memref<80x128xf32, #tpu.memory_space<vmem>>, %arg6: memref<80x128xf32, #tpu.memory_space<vmem>>, %arg7: memref<80xi32, #tpu.memory_space<vmem>>, %arg8: memref<40xi32, #tpu.memory_space<vmem>>) attributes {dimension_semantics = [#tpu.dimension_semantics<core_parallel>, #tpu.dimension_semantics<subcore_parallel>], iteration_bounds = array<i64: 2, 16>, scalar_prefetch = 0 : i64, scratch_operands = 5 : i64, tpu.core_type = #tpu.core_type<sc_vector_subcore>, window_params = [{transform_indices = #map}, {transform_indices = #map1}]} {
    %broadcast_in_dim3A = arith.constant 0.000000e+00 : f32
    %broadcast_in_dim3A_0 = vector.broadcast %broadcast_in_dim3A : f32 to vector<16xf32>
    %broadcast_in_dim3A_1 = arith.constant 1.000000e+00 : f32
    %broadcast_in_dim3A_2 = vector.broadcast %broadcast_in_dim3A_1 : f32 to vector<16xf32>
    %scan3A = arith.constant 0 : i32
    %scan3A_3 = arith.constant 0 : i32
    %scan3A_4 = arith.constant 80 : i32
    %scan3A_5 = arith.addi %scan3A_3, %scan3A_4 : i32
    %scan3A_6 = arith.constant 1 : i32
    scf.for %scan3A_50 = %scan3A_3 to %scan3A_5 step %scan3A_6  : i32 {
      %swap3A = arith.index_cast %scan3A_50 : i32 to index
      %swap3A_51 = arith.constant 0 : index
      %swap3A_52 = tpu.vector_load %arg5[%swap3A, %swap3A_51] {strides = array<i32>} : memref<80x128xf32, #tpu.memory_space<vmem>>, vector<1x16xf32>,
      %swap3A_53 = vector.shape_cast %swap3A_52 : vector<1x16xf32> to vector<16xf32>
      %swap3A_54 = vector.shape_cast %broadcast_in_dim3A_0 : vector<16xf32> to vector<1x16xf32>
      tpu.vector_store %arg5[%swap3A, %swap3A_51], %swap3A_54 {strides = array<i32>} : memref<80x128xf32, #tpu.memory_space<vmem>>, vector<1x16xf32>,
      %swap3A_55 = arith.index_cast %scan3A_50 : i32 to index
      %swap3A_56 = arith.constant 0 : index
      %swap3A_57 = tpu.vector_load %arg6[%swap3A_55, %swap3A_56] {strides = array<i32>} : memref<80x128xf32, #tpu.memory_space<vmem>>, vector<1x16xf32>,
      %swap3A_58 = vector.shape_cast %swap3A_57 : vector<1x16xf32> to vector<16xf32>
      %swap3A_59 = vector.shape_cast %broadcast_in_dim3A_2 : vector<16xf32> to vector<1x16xf32>
      tpu.vector_store %arg6[%swap3A_55, %swap3A_56], %swap3A_59 {strides = array<i32>} : memref<80x128xf32, #tpu.memory_space<vmem>>, vector<1x16xf32>,
      %swap3A_60 = arith.index_cast %scan3A_50 : i32 to index
      %swap3A_61 = arith.constant 16 : index
      %swap3A_62 = tpu.vector_load %arg5[%swap3A_60, %swap3A_61] {strides = array<i32>} : memref<80x128xf32, #tpu.memory_space<vmem>>, vector<1x16xf32>,
      %swap3A_63 = vector.shape_cast %swap3A_62 : vector<1x16xf32> to vector<16xf32>
      %swap3A_64 = vector.shape_cast %broadcast_in_dim3A_0 : vector<16xf32> to vector<1x16xf32>
      tpu.vector_store %arg5[%swap3A_60, %swap3A_61], %swap3A_64 {strides = array<i32>} : memref<80x128xf32, #tpu.memory_space<vmem>>, vector<1x16xf32>,
      %swap3A_65 = arith.index_cast %scan3A_50 : i32 to index
      %swap3A_66 = arith.constant 16 : index
      %swap3A_67 = tpu.vector_load %arg6[%swap3A_65, %swap3A_66] {strides = array<i32>} : memref<80x128xf32, #tpu.memory_space<vmem>>, vector<1x16xf32>,
      %swap3A_68 = vector.shape_cast %swap3A_67 : vector<1x16xf32> to vector<16xf32>
      %swap3A_69 = vector.shape_cast %broadcast_in_dim3A_2 : vector<16xf32> to vector<1x16xf32>
      tpu.vector_store %arg6[%swap3A_65, %swap3A_66], %swap3A_69 {strides = array<i32>} : memref<80x128xf32, #tpu.memory_space<vmem>>, vector<1x16xf32>,
      %swap3A_70 = arith.index_cast %scan3A_50 : i32 to index
      %swap3A_71 = arith.constant 32 : index
      %swap3A_72 = tpu.vector_load %arg5[%swap3A_70, %swap3A_71] {strides = array<i32>} : memref<80x128xf32, #tpu.memory_space<vmem>>, vector<1x16xf32>,
      %swap3A_73 = vector.shape_cast %swap3A_72 : vector<1x16xf32> to vector<16xf32>
      %swap3A_74 = vector.shape_cast %broadcast_in_dim3A_0 : vector<16xf32> to vector<1x16xf32>
      tpu.vector_store %arg5[%swap3A_70, %swap3A_71], %swap3A_74 {strides = array<i32>} : memref<80x128xf32, #tpu.memory_space<vmem>>, vector<1x16xf32>,
      %swap3A_75 = arith.index_cast %scan3A_50 : i32 to index
      %swap3A_76 = arith.constant 32 : index
      %swap3A_77 = tpu.vector_load %arg6[%swap3A_75, %swap3A_76] {strides = array<i32>} : memref<80x128xf32, #tpu.memory_space<vmem>>, vector<1x16xf32>,
      %swap3A_78 = vector.shape_cast %swap3A_77 : vector<1x16xf32> to vector<16xf32>
      %swap3A_79 = vector.shape_cast %broadcast_in_dim3A_2 : vector<16xf32> to vector<1x16xf32>
      tpu.vector_store %arg6[%swap3A_75, %swap3A_76], %swap3A_79 {strides = array<i32>} : memref<80x128xf32, #tpu.memory_space<vmem>>, vector<1x16xf32>,
      %swap3A_80 = arith.index_cast %scan3A_50 : i32 to index
      %swap3A_81 = arith.constant 48 : index
      %swap3A_82 = tpu.vector_load %arg5[%swap3A_80, %swap3A_81] {strides = array<i32>} : memref<80x128xf32, #tpu.memory_space<vmem>>, vector<1x16xf32>,
      %swap3A_83 = vector.shape_cast %swap3A_82 : vector<1x16xf32> to vector<16xf32>
      %swap3A_84 = vector.shape_cast %broadcast_in_dim3A_0 : vector<16xf32> to vector<1x16xf32>
      tpu.vector_store %arg5[%swap3A_80, %swap3A_81], %swap3A_84 {strides = array<i32>} : memref<80x128xf32, #tpu.memory_space<vmem>>, vector<1x16xf32>,
      %swap3A_85 = arith.index_cast %scan3A_50 : i32 to index
      %swap3A_86 = arith.constant 48 : index
      %swap3A_87 = tpu.vector_load %arg6[%swap3A_85, %swap3A_86] {strides = array<i32>} : memref<80x128xf32, #tpu.memory_space<vmem>>, vector<1x16xf32>,
      %swap3A_88 = vector.shape_cast %swap3A_87 : vector<1x16xf32> to vector<16xf32>
      %swap3A_89 = vector.shape_cast %broadcast_in_dim3A_2 : vector<16xf32> to vector<1x16xf32>
      tpu.vector_store %arg6[%swap3A_85, %swap3A_86], %swap3A_89 {strides = array<i32>} : memref<80x128xf32, #tpu.memory_space<vmem>>, vector<1x16xf32>,
      %swap3A_90 = arith.index_cast %scan3A_50 : i32 to index
      %swap3A_91 = arith.constant 64 : index
      %swap3A_92 = tpu.vector_load %arg5[%swap3A_90, %swap3A_91] {strides = array<i32>} : memref<80x128xf32, #tpu.memory_space<vmem>>, vector<1x16xf32>,
      %swap3A_93 = vector.shape_cast %swap3A_92 : vector<1x16xf32> to vector<16xf32>
      %swap3A_94 = vector.shape_cast %broadcast_in_dim3A_0 : vector<16xf32> to vector<1x16xf32>
      tpu.vector_store %arg5[%swap3A_90, %swap3A_91], %swap3A_94 {strides = array<i32>} : memref<80x128xf32, #tpu.memory_space<vmem>>, vector<1x16xf32>,
      %swap3A_95 = arith.index_cast %scan3A_50 : i32 to index
      %swap3A_96 = arith.constant 64 : index
      %swap3A_97 = tpu.vector_load %arg6[%swap3A_95, %swap3A_96] {strides = array<i32>} : memref<80x128xf32, #tpu.memory_space<vmem>>, vector<1x16xf32>,
      %swap3A_98 = vector.shape_cast %swap3A_97 : vector<1x16xf32> to vector<16xf32>
      %swap3A_99 = vector.shape_cast %broadcast_in_dim3A_2 : vector<16xf32> to vector<1x16xf32>
      tpu.vector_store %arg6[%swap3A_95, %swap3A_96], %swap3A_99 {strides = array<i32>} : memref<80x128xf32, #tpu.memory_space<vmem>>, vector<1x16xf32>,
      %swap3A_100 = arith.index_cast %scan3A_50 : i32 to index
      %swap3A_101 = arith.constant 80 : index
      %swap3A_102 = tpu.vector_load %arg5[%swap3A_100, %swap3A_101] {strides = array<i32>} : memref<80x128xf32, #tpu.memory_space<vmem>>, vector<1x16xf32>,
      %swap3A_103 = vector.shape_cast %swap3A_102 : vector<1x16xf32> to vector<16xf32>
      %swap3A_104 = vector.shape_cast %broadcast_in_dim3A_0 : vector<16xf32> to vector<1x16xf32>
      tpu.vector_store %arg5[%swap3A_100, %swap3A_101], %swap3A_104 {strides = array<i32>} : memref<80x128xf32, #tpu.memory_space<vmem>>, vector<1x16xf32>,
      %swap3A_105 = arith.index_cast %scan3A_50 : i32 to index
      %swap3A_106 = arith.constant 80 : index
      %swap3A_107 = tpu.vector_load %arg6[%swap3A_105, %swap3A_106] {strides = array<i32>} : memref<80x128xf32, #tpu.memory_space<vmem>>, vector<1x16xf32>,
      %swap3A_108 = vector.shape_cast %swap3A_107 : vector<1x16xf32> to vector<16xf32>
      %swap3A_109 = vector.shape_cast %broadcast_in_dim3A_2 : vector<16xf32> to vector<1x16xf32>
      tpu.vector_store %arg6[%swap3A_105, %swap3A_106], %swap3A_109 {strides = array<i32>} : memref<80x128xf32, #tpu.memory_space<vmem>>, vector<1x16xf32>,
      %swap3A_110 = arith.index_cast %scan3A_50 : i32 to index
      %swap3A_111 = arith.constant 96 : index
      %swap3A_112 = tpu.vector_load %arg5[%swap3A_110, %swap3A_111] {strides = array<i32>} : memref<80x128xf32, #tpu.memory_space<vmem>>, vector<1x16xf32>,
      %swap3A_113 = vector.shape_cast %swap3A_112 : vector<1x16xf32> to vector<16xf32>
      %swap3A_114 = vector.shape_cast %broadcast_in_dim3A_0 : vector<16xf32> to vector<1x16xf32>
      tpu.vector_store %arg5[%swap3A_110, %swap3A_111], %swap3A_114 {strides = array<i32>} : memref<80x128xf32, #tpu.memory_space<vmem>>, vector<1x16xf32>,
      %swap3A_115 = arith.index_cast %scan3A_50 : i32 to index
      %swap3A_116 = arith.constant 96 : index
      %swap3A_117 = tpu.vector_load %arg6[%swap3A_115, %swap3A_116] {strides = array<i32>} : memref<80x128xf32, #tpu.memory_space<vmem>>, vector<1x16xf32>,
      %swap3A_118 = vector.shape_cast %swap3A_117 : vector<1x16xf32> to vector<16xf32>
      %swap3A_119 = vector.shape_cast %broadcast_in_dim3A_2 : vector<16xf32> to vector<1x16xf32>
      tpu.vector_store %arg6[%swap3A_115, %swap3A_116], %swap3A_119 {strides = array<i32>} : memref<80x128xf32, #tpu.memory_space<vmem>>, vector<1x16xf32>,
      %swap3A_120 = arith.index_cast %scan3A_50 : i32 to index
      %swap3A_121 = arith.constant 112 : index
      %swap3A_122 = tpu.vector_load %arg5[%swap3A_120, %swap3A_121] {strides = array<i32>} : memref<80x128xf32, #tpu.memory_space<vmem>>, vector<1x16xf32>,
      %swap3A_123 = vector.shape_cast %swap3A_122 : vector<1x16xf32> to vector<16xf32>
      %swap3A_124 = vector.shape_cast %broadcast_in_dim3A_0 : vector<16xf32> to vector<1x16xf32>
      tpu.vector_store %arg5[%swap3A_120, %swap3A_121], %swap3A_124 {strides = array<i32>} : memref<80x128xf32, #tpu.memory_space<vmem>>, vector<1x16xf32>,
      %swap3A_125 = arith.index_cast %scan3A_50 : i32 to index
      %swap3A_126 = arith.constant 112 : index
      %swap3A_127 = tpu.vector_load %arg6[%swap3A_125, %swap3A_126] {strides = array<i32>} : memref<80x128xf32, #tpu.memory_space<vmem>>, vector<1x16xf32>,
      %swap3A_128 = vector.shape_cast %swap3A_127 : vector<1x16xf32> to vector<16xf32>
      %swap3A_129 = vector.shape_cast %broadcast_in_dim3A_2 : vector<16xf32> to vector<1x16xf32>
      tpu.vector_store %arg6[%swap3A_125, %swap3A_126], %swap3A_129 {strides = array<i32>} : memref<80x128xf32, #tpu.memory_space<vmem>>, vector<1x16xf32>,
    }
    %scan3A_7 = arith.constant 80 : i32
    %mul3A = arith.constant 624 : i32
    %mul3A_8 = arith.muli %arg1, %mul3A : i32
    %scan3A_9 = arith.constant 0 : i32
    %scan3A_10 = arith.constant 0 : i32
    %scan3A_11 = arith.constant 7 : i32
    %scan3A_12 = arith.addi %scan3A_10, %scan3A_11 : i32
    %scan3A_13 = arith.constant 1 : i32
    scf.for %scan3A_50 = %scan3A_10 to %scan3A_12 step %scan3A_13  : i32 {
      %mul3A_51 = arith.constant 80 : i32
      %mul3A_52 = arith.muli %scan3A_50, %mul3A_51 : i32
      %add3A_53 = arith.addi %mul3A_8, %mul3A_52 : i32
      "tpu.region"() ({
        %run_scoped3A = tpu.sem_alloc : memref<!tpu.dma_semaphore, #tpu.memory_space<semaphore_mem>>
        %dma_start3A = arith.constant 0 : i32
        %dma_start3A_54 = tpu.memref_slice %arg4[%add3A_53, %dma_start3A] : memref<10000x128xf32, #tpu.memory_space<vmem_shared>> -> memref<80x128xf32, #tpu.memory_space<vmem_shared>>
        %dma_start3A_55 = arith.constant 0 : i32
        %dma_start3A_56 = tpu.memref_slice %arg4[%add3A_53, %dma_start3A_55] : memref<10000x128xf32, #tpu.memory_space<vmem_shared>> -> memref<80x128xf32, #tpu.memory_space<vmem_shared>>
        tpu.enqueue_dma source(%arg5 : memref<80x128xf32, #tpu.memory_space<vmem>>) target(%dma_start3A_56 : memref<80x128xf32, #tpu.memory_space<vmem_shared>>) target_semaphore(%run_scoped3A : memref<!tpu.dma_semaphore, #tpu.memory_space<semaphore_mem>>)
        %dma_wait3A = arith.constant 0 : i32
        %dma_wait3A_57 = tpu.memref_slice %arg4[%add3A_53, %dma_wait3A] : memref<10000x128xf32, #tpu.memory_space<vmem_shared>> -> memref<80x128xf32, #tpu.memory_space<vmem_shared>>
        %dma_wait3A_58 = arith.constant 0 : i32
        %dma_wait3A_59 = tpu.memref_slice %arg4[%add3A_53, %dma_wait3A_58] : memref<10000x128xf32, #tpu.memory_space<vmem_shared>> -> memref<80x128xf32, #tpu.memory_space<vmem_shared>>
        tpu.wait_dma2 semaphore(%run_scoped3A : memref<!tpu.dma_semaphore, #tpu.memory_space<semaphore_mem>>) src(%arg5 : memref<80x128xf32, #tpu.memory_space<vmem>>) dst(%dma_wait3A_59 : memref<80x128xf32, #tpu.memory_space<vmem_shared>>)
        tpu.yield
      }) : () -> ()
    }
    %scan3A_14 = arith.constant 7 : i32
    %add3A = arith.constant 560 : i32
    %add3A_15 = arith.addi %mul3A_8, %add3A : i32
    "tpu.region"() ({
      %run_scoped3A = tpu.sem_alloc : memref<!tpu.dma_semaphore, #tpu.memory_space<semaphore_mem>>
      %dma_start3A = arith.constant 0 : i32
      %dma_start3A_50 = arith.constant 0 : i32
      %dma_start3A_51 = tpu.memref_slice %arg5[%dma_start3A, %dma_start3A_50] : memref<80x128xf32, #tpu.memory_space<vmem>> -> memref<64x128xf32, #tpu.memory_space<vmem>>
      %dma_start3A_52 = arith.constant 0 : i32
      %dma_start3A_53 = tpu.memref_slice %arg4[%add3A_15, %dma_start3A_52] : memref<10000x128xf32, #tpu.memory_space<vmem_shared>> -> memref<64x128xf32, #tpu.memory_space<vmem_shared>>
      %dma_start3A_54 = arith.constant 0 : i32
      %dma_start3A_55 = tpu.memref_slice %arg4[%add3A_15, %dma_start3A_54] : memref<10000x128xf32, #tpu.memory_space<vmem_shared>> -> memref<64x128xf32, #tpu.memory_space<vmem_shared>>
      %dma_start3A_56 = arith.constant 0 : i32
      %dma_start3A_57 = arith.constant 0 : i32
      %dma_start3A_58 = tpu.memref_slice %arg5[%dma_start3A_56, %dma_start3A_57] : memref<80x128xf32, #tpu.memory_space<vmem>> -> memref<64x128xf32, #tpu.memory_space<vmem>>
      tpu.enqueue_dma source(%dma_start3A_58 : memref<64x128xf32, #tpu.memory_space<vmem>>) target(%dma_start3A_55 : memref<64x128xf32, #tpu.memory_space<vmem_shared>>) target_semaphore(%run_scoped3A : memref<!tpu.dma_semaphore, #tpu.memory_space<semaphore_mem>>)
      %dma_wait3A = arith.constant 0 : i32
      %dma_wait3A_59 = arith.constant 0 : i32
      %dma_wait3A_60 = tpu.memref_slice %arg5[%dma_wait3A, %dma_wait3A_59] : memref<80x128xf32, #tpu.memory_space<vmem>> -> memref<64x128xf32, #tpu.memory_space<vmem>>
      %dma_wait3A_61 = arith.constant 0 : i32
      %dma_wait3A_62 = tpu.memref_slice %arg4[%add3A_15, %dma_wait3A_61] : memref<10000x128xf32, #tpu.memory_space<vmem_shared>> -> memref<64x128xf32, #tpu.memory_space<vmem_shared>>
      %dma_wait3A_63 = arith.constant 0 : i32
      %dma_wait3A_64 = tpu.memref_slice %arg4[%add3A_15, %dma_wait3A_63] : memref<10000x128xf32, #tpu.memory_space<vmem_shared>> -> memref<64x128xf32, #tpu.memory_space<vmem_shared>>
      %dma_wait3A_65 = arith.constant 0 : i32
      %dma_wait3A_66 = arith.constant 0 : i32
      %dma_wait3A_67 = tpu.memref_slice %arg5[%dma_wait3A_65, %dma_wait3A_66] : memref<80x128xf32, #tpu.memory_space<vmem>> -> memref<64x128xf32, #tpu.memory_space<vmem>>
      tpu.wait_dma2 semaphore(%run_scoped3A : memref<!tpu.dma_semaphore, #tpu.memory_space<semaphore_mem>>) src(%dma_wait3A_67 : memref<64x128xf32, #tpu.memory_space<vmem>>) dst(%dma_wait3A_64 : memref<64x128xf32, #tpu.memory_space<vmem_shared>>)
      tpu.yield
    }) : () -> ()
    %eq3A = arith.constant 15 : i32
    %eq3A_16 = arith.cmpi eq, %arg1, %eq3A : i32
    %convert_element_type3A = arith.extui %eq3A_16 : i1 to i32
    %cond3A = arith.constant 0 : i32
    %cond3A_17 = arith.cmpi ne, %convert_element_type3A, %cond3A : i32
    scf.if %cond3A_17 {
      "tpu.region"() ({
        %run_scoped3A = tpu.sem_alloc : memref<!tpu.dma_semaphore, #tpu.memory_space<semaphore_mem>>
        %dma_start3A = arith.constant 0 : i32
        %dma_start3A_50 = arith.constant 0 : i32
        %dma_start3A_51 = tpu.memref_slice %arg5[%dma_start3A, %dma_start3A_50] : memref<80x128xf32, #tpu.memory_space<vmem>> -> memref<16x128xf32, #tpu.memory_space<vmem>>
        %dma_start3A_52 = arith.constant 9984 : i32
        %dma_start3A_53 = arith.constant 0 : i32
        %dma_start3A_54 = tpu.memref_slice %arg4[%dma_start3A_52, %dma_start3A_53] : memref<10000x128xf32, #tpu.memory_space<vmem_shared>> -> memref<16x128xf32, #tpu.memory_space<vmem_shared>>
        %dma_start3A_55 = arith.constant 9984 : i32
        %dma_start3A_56 = arith.constant 0 : i32
        %dma_start3A_57 = tpu.memref_slice %arg4[%dma_start3A_55, %dma_start3A_56] : memref<10000x128xf32, #tpu.memory_space<vmem_shared>> -> memref<16x128xf32, #tpu.memory_space<vmem_shared>>
        %dma_start3A_58 = arith.constant 0 : i32
        %dma_start3A_59 = arith.constant 0 : i32
        %dma_start3A_60 = tpu.memref_slice %arg5[%dma_start3A_58, %dma_start3A_59] : memref<80x128xf32, #tpu.memory_space<vmem>> -> memref<16x128xf32, #tpu.memory_space<vmem>>
        tpu.enqueue_dma source(%dma_start3A_60 : memref<16x128xf32, #tpu.memory_space<vmem>>) target(%dma_start3A_57 : memref<16x128xf32, #tpu.memory_space<vmem_shared>>) target_semaphore(%run_scoped3A : memref<!tpu.dma_semaphore, #tpu.memory_space<semaphore_mem>>)
        %dma_wait3A = arith.constant 0 : i32
        %dma_wait3A_61 = arith.constant 0 : i32
        %dma_wait3A_62 = tpu.memref_slice %arg5[%dma_wait3A, %dma_wait3A_61] : memref<80x128xf32, #tpu.memory_space<vmem>> -> memref<16x128xf32, #tpu.memory_space<vmem>>
        %dma_wait3A_63 = arith.constant 9984 : i32
        %dma_wait3A_64 = arith.constant 0 : i32
        %dma_wait3A_65 = tpu.memref_slice %arg4[%dma_wait3A_63, %dma_wait3A_64] : memref<10000x128xf32, #tpu.memory_space<vmem_shared>> -> memref<16x128xf32, #tpu.memory_space<vmem_shared>>
        %dma_wait3A_66 = arith.constant 9984 : i32
        %dma_wait3A_67 = arith.constant 0 : i32
        %dma_wait3A_68 = tpu.memref_slice %arg4[%dma_wait3A_66, %dma_wait3A_67] : memref<10000x128xf32, #tpu.memory_space<vmem_shared>> -> memref<16x128xf32, #tpu.memory_space<vmem_shared>>
        %dma_wait3A_69 = arith.constant 0 : i32
        %dma_wait3A_70 = arith.constant 0 : i32
        %dma_wait3A_71 = tpu.memref_slice %arg5[%dma_wait3A_69, %dma_wait3A_70] : memref<80x128xf32, #tpu.memory_space<vmem>> -> memref<16x128xf32, #tpu.memory_space<vmem>>
        tpu.wait_dma2 semaphore(%run_scoped3A : memref<!tpu.dma_semaphore, #tpu.memory_space<semaphore_mem>>) src(%dma_wait3A_71 : memref<16x128xf32, #tpu.memory_space<vmem>>) dst(%dma_wait3A_68 : memref<16x128xf32, #tpu.memory_space<vmem_shared>>)
        tpu.yield
      }) : () -> ()
    } else {
    }
    %barrier3A = arith.constant 0 : index
    tpu.barrier barrier_id(%barrier3A)
    %mul3A_18 = arith.constant 16 : i32
    %mul3A_19 = arith.muli %arg0, %mul3A_18 : i32
    %add3A_20 = arith.addi %mul3A_19, %arg1 : i32
    %mul3A_21 = arith.constant 5000 : i32
    %mul3A_22 = arith.muli %add3A_20, %mul3A_21 : i32
    %scan3A_23 = arith.constant 0 : i32
    %scan3A_24 = arith.constant 0 : i32
    %scan3A_25 = arith.constant 62 : i32
    %scan3A_26 = arith.addi %scan3A_24, %scan3A_25 : i32
    %scan3A_27 = arith.constant 1 : i32
    scf.for %scan3A_50 = %scan3A_24 to %scan3A_26 step %scan3A_27  : i32 {
      %mul3A_51 = arith.constant 80 : i32
      %mul3A_52 = arith.muli %scan3A_50, %mul3A_51 : i32
      %add3A_53 = arith.addi %mul3A_22, %mul3A_52 : i32
      "tpu.region"() ({
        %run_scoped3A = tpu.sem_alloc : memref<!tpu.dma_semaphore, #tpu.memory_space<semaphore_mem>>
        %dma_start3A = tpu.memref_slice %arg2[%add3A_53] : memref<160000xi32, #tpu.memory_space<hbm>> -> memref<80xi32, #tpu.memory_space<hbm>>
        %dma_start3A_54 = tpu.memref_slice %arg2[%add3A_53] : memref<160000xi32, #tpu.memory_space<hbm>> -> memref<80xi32, #tpu.memory_space<hbm>>
        tpu.enqueue_dma source(%dma_start3A_54 : memref<80xi32, #tpu.memory_space<hbm>>) target(%arg7 : memref<80xi32, #tpu.memory_space<vmem>>) target_semaphore(%run_scoped3A : memref<!tpu.dma_semaphore, #tpu.memory_space<semaphore_mem>>)
        %dma_wait3A = tpu.memref_slice %arg2[%add3A_53] : memref<160000xi32, #tpu.memory_space<hbm>> -> memref<80xi32, #tpu.memory_space<hbm>>
        %dma_wait3A_55 = tpu.memref_slice %arg2[%add3A_53] : memref<160000xi32, #tpu.memory_space<hbm>> -> memref<80xi32, #tpu.memory_space<hbm>>
        tpu.wait_dma2 semaphore(%run_scoped3A : memref<!tpu.dma_semaphore, #tpu.memory_space<semaphore_mem>>) src(%dma_wait3A_55 : memref<80xi32, #tpu.memory_space<hbm>>) dst(%arg7 : memref<80xi32, #tpu.memory_space<vmem>>)
        tpu.yield
      }) : () -> ()
      "tpu.region"() ({
        %run_scoped3A = tpu.sem_alloc : memref<!tpu.dma_semaphore, #tpu.memory_space<semaphore_mem>>
        %dma_start3A = arith.constant 0 : i32
        %dma_start3A_54 = arith.constant 0 : i32
        %dma_start3A_55 = tpu.memref_slice %arg4[%dma_start3A, %dma_start3A_54] : memref<10000x128xf32, #tpu.memory_space<vmem_shared>> -> memref<10000x128xf32, #tpu.memory_space<vmem_shared>>
        tpu.enqueue_indirect_dma source(%arg6 : memref<80x128xf32, #tpu.memory_space<vmem>>) target(%dma_start3A_55 : memref<10000x128xf32, #tpu.memory_space<vmem_shared>>) offsets(%arg7 : memref<80xi32, #tpu.memory_space<vmem>>) semaphore(%run_scoped3A : memref<!tpu.dma_semaphore, #tpu.memory_space<semaphore_mem>>) {add = true}
        %dma_wait3A = arith.constant 0 : i32
        %dma_wait3A_56 = arith.constant 0 : i32
        %dma_wait3A_57 = tpu.memref_slice %arg4[%dma_wait3A, %dma_wait3A_56] : memref<10000x128xf32, #tpu.memory_space<vmem_shared>> -> memref<10000x128xf32, #tpu.memory_space<vmem_shared>>
        tpu.wait_indirect_dma semaphore(%run_scoped3A : memref<!tpu.dma_semaphore, #tpu.memory_space<semaphore_mem>>) src(%arg6 : memref<80x128xf32, #tpu.memory_space<vmem>>) dst(%dma_wait3A_57 : memref<10000x128xf32, #tpu.memory_space<vmem_shared>>)
        tpu.yield
      }) : () -> ()
    }
    %scan3A_28 = arith.constant 62 : i32
    %add3A_29 = arith.constant 4960 : i32
    %add3A_30 = arith.addi %mul3A_22, %add3A_29 : i32
    "tpu.region"() ({
      %run_scoped3A = tpu.sem_alloc : memref<!tpu.dma_semaphore, #tpu.memory_space<semaphore_mem>>
      %dma_start3A = tpu.memref_slice %arg2[%add3A_30] : memref<160000xi32, #tpu.memory_space<hbm>> -> memref<40xi32, #tpu.memory_space<hbm>>
      %dma_start3A_50 = tpu.memref_slice %arg2[%add3A_30] : memref<160000xi32, #tpu.memory_space<hbm>> -> memref<40xi32, #tpu.memory_space<hbm>>
      tpu.enqueue_dma source(%dma_start3A_50 : memref<40xi32, #tpu.memory_space<hbm>>) target(%arg8 : memref<40xi32, #tpu.memory_space<vmem>>) target_semaphore(%run_scoped3A : memref<!tpu.dma_semaphore, #tpu.memory_space<semaphore_mem>>)
      %dma_wait3A = tpu.memref_slice %arg2[%add3A_30] : memref<160000xi32, #tpu.memory_space<hbm>> -> memref<40xi32, #tpu.memory_space<hbm>>
      %dma_wait3A_51 = tpu.memref_slice %arg2[%add3A_30] : memref<160000xi32, #tpu.memory_space<hbm>> -> memref<40xi32, #tpu.memory_space<hbm>>
      tpu.wait_dma2 semaphore(%run_scoped3A : memref<!tpu.dma_semaphore, #tpu.memory_space<semaphore_mem>>) src(%dma_wait3A_51 : memref<40xi32, #tpu.memory_space<hbm>>) dst(%arg8 : memref<40xi32, #tpu.memory_space<vmem>>)
      tpu.yield
    }) : () -> ()
    "tpu.region"() ({
      %run_scoped3A = tpu.sem_alloc : memref<!tpu.dma_semaphore, #tpu.memory_space<semaphore_mem>>
      %dma_start3A = arith.constant 0 : i32
      %dma_start3A_50 = arith.constant 0 : i32
      %dma_start3A_51 = tpu.memref_slice %arg6[%dma_start3A, %dma_start3A_50] : memref<80x128xf32, #tpu.memory_space<vmem>> -> memref<40x128xf32, #tpu.memory_space<vmem>>
      %dma_start3A_52 = arith.constant 0 : i32
      %dma_start3A_53 = arith.constant 0 : i32
      %dma_start3A_54 = tpu.memref_slice %arg4[%dma_start3A_52, %dma_start3A_53] : memref<10000x128xf32, #tpu.memory_space<vmem_shared>> -> memref<10000x128xf32, #tpu.memory_space<vmem_shared>>
      tpu.enqueue_indirect_dma source(%dma_start3A_51 : memref<40x128xf32, #tpu.memory_space<vmem>>) target(%dma_start3A_54 : memref<10000x128xf32, #tpu.memory_space<vmem_shared>>) offsets(%arg8 : memref<40xi32, #tpu.memory_space<vmem>>) semaphore(%run_scoped3A : memref<!tpu.dma_semaphore, #tpu.memory_space<semaphore_mem>>) {add = true}
      %dma_wait3A = arith.constant 0 : i32
      %dma_wait3A_55 = arith.constant 0 : i32
      %dma_wait3A_56 = tpu.memref_slice %arg6[%dma_wait3A, %dma_wait3A_55] : memref<80x128xf32, #tpu.memory_space<vmem>> -> memref<40x128xf32, #tpu.memory_space<vmem>>
      %dma_wait3A_57 = arith.constant 0 : i32
      %dma_wait3A_58 = arith.constant 0 : i32
      %dma_wait3A_59 = tpu.memref_slice %arg4[%dma_wait3A_57, %dma_wait3A_58] : memref<10000x128xf32, #tpu.memory_space<vmem_shared>> -> memref<10000x128xf32, #tpu.memory_space<vmem_shared>>
      tpu.wait_indirect_dma semaphore(%run_scoped3A : memref<!tpu.dma_semaphore, #tpu.memory_space<semaphore_mem>>) src(%dma_wait3A_56 : memref<40x128xf32, #tpu.memory_space<vmem>>) dst(%dma_wait3A_59 : memref<10000x128xf32, #tpu.memory_space<vmem_shared>>)
      tpu.yield
    }) : () -> ()
    %barrier3A_31 = arith.constant 0 : index
    tpu.barrier barrier_id(%barrier3A_31)
    %mul3A_32 = arith.constant 10000 : i32
    %mul3A_33 = arith.muli %arg0, %mul3A_32 : i32
    %mul3A_34 = arith.constant 624 : i32
    %mul3A_35 = arith.muli %arg1, %mul3A_34 : i32
    %scan3A_36 = arith.constant 0 : i32
    %scan3A_37 = arith.constant 0 : i32
    %scan3A_38 = arith.constant 7 : i32
    %scan3A_39 = arith.addi %scan3A_37, %scan3A_38 : i32
    %scan3A_40 = arith.constant 1 : i32
    scf.for %scan3A_50 = %scan3A_37 to %scan3A_39 step %scan3A_40  : i32 {
      %mul3A_51 = arith.constant 80 : i32
      %mul3A_52 = arith.muli %scan3A_50, %mul3A_51 : i32
      %add3A_53 = arith.addi %mul3A_35, %mul3A_52 : i32
      "tpu.region"() ({
        %run_scoped3A = tpu.sem_alloc : memref<!tpu.dma_semaphore, #tpu.memory_space<semaphore_mem>>
        %dma_start3A = arith.constant 0 : i32
        %dma_start3A_58 = tpu.memref_slice %arg4[%add3A_53, %dma_start3A] : memref<10000x128xf32, #tpu.memory_space<vmem_shared>> -> memref<80x128xf32, #tpu.memory_space<vmem_shared>>
        %dma_start3A_59 = arith.constant 0 : i32
        %dma_start3A_60 = tpu.memref_slice %arg4[%add3A_53, %dma_start3A_59] : memref<10000x128xf32, #tpu.memory_space<vmem_shared>> -> memref<80x128xf32, #tpu.memory_space<vmem_shared>>
        tpu.enqueue_dma source(%dma_start3A_60 : memref<80x128xf32, #tpu.memory_space<vmem_shared>>) target(%arg5 : memref<80x128xf32, #tpu.memory_space<vmem>>) target_semaphore(%run_scoped3A : memref<!tpu.dma_semaphore, #tpu.memory_space<semaphore_mem>>)
        %dma_wait3A = arith.constant 0 : i32
        %dma_wait3A_61 = tpu.memref_slice %arg4[%add3A_53, %dma_wait3A] : memref<10000x128xf32, #tpu.memory_space<vmem_shared>> -> memref<80x128xf32, #tpu.memory_space<vmem_shared>>
        %dma_wait3A_62 = arith.constant 0 : i32
        %dma_wait3A_63 = tpu.memref_slice %arg4[%add3A_53, %dma_wait3A_62] : memref<10000x128xf32, #tpu.memory_space<vmem_shared>> -> memref<80x128xf32, #tpu.memory_space<vmem_shared>>
        tpu.wait_dma2 semaphore(%run_scoped3A : memref<!tpu.dma_semaphore, #tpu.memory_space<semaphore_mem>>) src(%dma_wait3A_63 : memref<80x128xf32, #tpu.memory_space<vmem_shared>>) dst(%arg5 : memref<80x128xf32, #tpu.memory_space<vmem>>)
        tpu.yield
      }) : () -> ()
      %add3A_54 = arith.addi %mul3A_33, %mul3A_35 : i32
      %mul3A_55 = arith.constant 80 : i32
      %mul3A_56 = arith.muli %scan3A_50, %mul3A_55 : i32
      %add3A_57 = arith.addi %add3A_54, %mul3A_56 : i32
      "tpu.region"() ({
        %run_scoped3A = tpu.sem_alloc : memref<!tpu.dma_semaphore, #tpu.memory_space<semaphore_mem>>
        %dma_start3A = arith.constant 0 : i32
        %dma_start3A_58 = tpu.memref_slice %arg3[%add3A_57, %dma_start3A] : memref<20000x128xf32, #tpu.memory_space<hbm>> -> memref<80x128xf32, #tpu.memory_space<hbm>>
        %dma_start3A_59 = arith.constant 0 : i32
        %dma_start3A_60 = tpu.memref_slice %arg3[%add3A_57, %dma_start3A_59] : memref<20000x128xf32, #tpu.memory_space<hbm>> -> memref<80x128xf32, #tpu.memory_space<hbm>>
        tpu.enqueue_dma source(%arg5 : memref<80x128xf32, #tpu.memory_space<vmem>>) target(%dma_start3A_60 : memref<80x128xf32, #tpu.memory_space<hbm>>) target_semaphore(%run_scoped3A : memref<!tpu.dma_semaphore, #tpu.memory_space<semaphore_mem>>)
        %dma_wait3A = arith.constant 0 : i32
        %dma_wait3A_61 = tpu.memref_slice %arg3[%add3A_57, %dma_wait3A] : memref<20000x128xf32, #tpu.memory_space<hbm>> -> memref<80x128xf32, #tpu.memory_space<hbm>>
        %dma_wait3A_62 = arith.constant 0 : i32
        %dma_wait3A_63 = tpu.memref_slice %arg3[%add3A_57, %dma_wait3A_62] : memref<20000x128xf32, #tpu.memory_space<hbm>> -> memref<80x128xf32, #tpu.memory_space<hbm>>
        tpu.wait_dma2 semaphore(%run_scoped3A : memref<!tpu.dma_semaphore, #tpu.memory_space<semaphore_mem>>) src(%arg5 : memref<80x128xf32, #tpu.memory_space<vmem>>) dst(%dma_wait3A_63 : memref<80x128xf32, #tpu.memory_space<hbm>>)
        tpu.yield
      }) : () -> ()
    }
    %scan3A_41 = arith.constant 7 : i32
    %add3A_42 = arith.constant 560 : i32
    %add3A_43 = arith.addi %mul3A_35, %add3A_42 : i32
    "tpu.region"() ({
      %run_scoped3A = tpu.sem_alloc : memref<!tpu.dma_semaphore, #tpu.memory_space<semaphore_mem>>
      %dma_start3A = arith.constant 0 : i32
      %dma_start3A_50 = arith.constant 0 : i32
      %dma_start3A_51 = tpu.memref_slice %arg5[%dma_start3A, %dma_start3A_50] : memref<80x128xf32, #tpu.memory_space<vmem>> -> memref<64x128xf32, #tpu.memory_space<vmem>>
      %dma_start3A_52 = arith.constant 0 : i32
      %dma_start3A_53 = tpu.memref_slice %arg4[%add3A_43, %dma_start3A_52] : memref<10000x128xf32, #tpu.memory_space<vmem_shared>> -> memref<64x128xf32, #tpu.memory_space<vmem_shared>>
      %dma_start3A_54 = arith.constant 0 : i32
      %dma_start3A_55 = arith.constant 0 : i32
      %dma_start3A_56 = tpu.memref_slice %arg5[%dma_start3A_54, %dma_start3A_55] : memref<80x128xf32, #tpu.memory_space<vmem>> -> memref<64x128xf32, #tpu.memory_space<vmem>>
      %dma_start3A_57 = arith.constant 0 : i32
      %dma_start3A_58 = tpu.memref_slice %arg4[%add3A_43, %dma_start3A_57] : memref<10000x128xf32, #tpu.memory_space<vmem_shared>> -> memref<64x128xf32, #tpu.memory_space<vmem_shared>>
      tpu.enqueue_dma source(%dma_start3A_58 : memref<64x128xf32, #tpu.memory_space<vmem_shared>>) target(%dma_start3A_56 : memref<64x128xf32, #tpu.memory_space<vmem>>) target_semaphore(%run_scoped3A : memref<!tpu.dma_semaphore, #tpu.memory_space<semaphore_mem>>)
      %dma_wait3A = arith.constant 0 : i32
      %dma_wait3A_59 = arith.constant 0 : i32
      %dma_wait3A_60 = tpu.memref_slice %arg5[%dma_wait3A, %dma_wait3A_59] : memref<80x128xf32, #tpu.memory_space<vmem>> -> memref<64x128xf32, #tpu.memory_space<vmem>>
      %dma_wait3A_61 = arith.constant 0 : i32
      %dma_wait3A_62 = tpu.memref_slice %arg4[%add3A_43, %dma_wait3A_61] : memref<10000x128xf32, #tpu.memory_space<vmem_shared>> -> memref<64x128xf32, #tpu.memory_space<vmem_shared>>
      %dma_wait3A_63 = arith.constant 0 : i32
      %dma_wait3A_64 = arith.constant 0 : i32
      %dma_wait3A_65 = tpu.memref_slice %arg5[%dma_wait3A_63, %dma_wait3A_64] : memref<80x128xf32, #tpu.memory_space<vmem>> -> memref<64x128xf32, #tpu.memory_space<vmem>>
      %dma_wait3A_66 = arith.constant 0 : i32
      %dma_wait3A_67 = tpu.memref_slice %arg4[%add3A_43, %dma_wait3A_66] : memref<10000x128xf32, #tpu.memory_space<vmem_shared>> -> memref<64x128xf32, #tpu.memory_space<vmem_shared>>
      tpu.wait_dma2 semaphore(%run_scoped3A : memref<!tpu.dma_semaphore, #tpu.memory_space<semaphore_mem>>) src(%dma_wait3A_67 : memref<64x128xf32, #tpu.memory_space<vmem_shared>>) dst(%dma_wait3A_65 : memref<64x128xf32, #tpu.memory_space<vmem>>)
      tpu.yield
    }) : () -> ()
    %add3A_44 = arith.addi %mul3A_33, %add3A_43 : i32
    "tpu.region"() ({
      %run_scoped3A = tpu.sem_alloc : memref<!tpu.dma_semaphore, #tpu.memory_space<semaphore_mem>>
      %dma_start3A = arith.constant 0 : i32
      %dma_start3A_50 = arith.constant 0 : i32
      %dma_start3A_51 = tpu.memref_slice %arg5[%dma_start3A, %dma_start3A_50] : memref<80x128xf32, #tpu.memory_space<vmem>> -> memref<64x128xf32, #tpu.memory_space<vmem>>
      %dma_start3A_52 = arith.constant 0 : i32
      %dma_start3A_53 = tpu.memref_slice %arg3[%add3A_44, %dma_start3A_52] : memref<20000x128xf32, #tpu.memory_space<hbm>> -> memref<64x128xf32, #tpu.memory_space<hbm>>
      %dma_start3A_54 = arith.constant 0 : i32
      %dma_start3A_55 = tpu.memref_slice %arg3[%add3A_44, %dma_start3A_54] : memref<20000x128xf32, #tpu.memory_space<hbm>> -> memref<64x128xf32, #tpu.memory_space<hbm>>
      %dma_start3A_56 = arith.constant 0 : i32
      %dma_start3A_57 = arith.constant 0 : i32
      %dma_start3A_58 = tpu.memref_slice %arg5[%dma_start3A_56, %dma_start3A_57] : memref<80x128xf32, #tpu.memory_space<vmem>> -> memref<64x128xf32, #tpu.memory_space<vmem>>
      tpu.enqueue_dma source(%dma_start3A_58 : memref<64x128xf32, #tpu.memory_space<vmem>>) target(%dma_start3A_55 : memref<64x128xf32, #tpu.memory_space<hbm>>) target_semaphore(%run_scoped3A : memref<!tpu.dma_semaphore, #tpu.memory_space<semaphore_mem>>)
      %dma_wait3A = arith.constant 0 : i32
      %dma_wait3A_59 = arith.constant 0 : i32
      %dma_wait3A_60 = tpu.memref_slice %arg5[%dma_wait3A, %dma_wait3A_59] : memref<80x128xf32, #tpu.memory_space<vmem>> -> memref<64x128xf32, #tpu.memory_space<vmem>>
      %dma_wait3A_61 = arith.constant 0 : i32
      %dma_wait3A_62 = tpu.memref_slice %arg3[%add3A_44, %dma_wait3A_61] : memref<20000x128xf32, #tpu.memory_space<hbm>> -> memref<64x128xf32, #tpu.memory_space<hbm>>
      %dma_wait3A_63 = arith.constant 0 : i32
      %dma_wait3A_64 = tpu.memref_slice %arg3[%add3A_44, %dma_wait3A_63] : memref<20000x128xf32, #tpu.memory_space<hbm>> -> memref<64x128xf32, #tpu.memory_space<hbm>>
      %dma_wait3A_65 = arith.constant 0 : i32
      %dma_wait3A_66 = arith.constant 0 : i32
      %dma_wait3A_67 = tpu.memref_slice %arg5[%dma_wait3A_65, %dma_wait3A_66] : memref<80x128xf32, #tpu.memory_space<vmem>> -> memref<64x128xf32, #tpu.memory_space<vmem>>
      tpu.wait_dma2 semaphore(%run_scoped3A : memref<!tpu.dma_semaphore, #tpu.memory_space<semaphore_mem>>) src(%dma_wait3A_67 : memref<64x128xf32, #tpu.memory_space<vmem>>) dst(%dma_wait3A_64 : memref<64x128xf32, #tpu.memory_space<hbm>>)
      tpu.yield
    }) : () -> ()
    %eq3A_45 = arith.constant 15 : i32
    %eq3A_46 = arith.cmpi eq, %arg1, %eq3A_45 : i32
    %convert_element_type3A_47 = arith.extui %eq3A_46 : i1 to i32
    %cond3A_48 = arith.constant 0 : i32
    %cond3A_49 = arith.cmpi ne, %convert_element_type3A_47, %cond3A_48 : i32
    scf.if %cond3A_49 {
      "tpu.region"() ({
        %run_scoped3A = tpu.sem_alloc : memref<!tpu.dma_semaphore, #tpu.memory_space<semaphore_mem>>
        %dma_start3A = arith.constant 0 : i32
        %dma_start3A_52 = arith.constant 0 : i32
        %dma_start3A_53 = tpu.memref_slice %arg5[%dma_start3A, %dma_start3A_52] : memref<80x128xf32, #tpu.memory_space<vmem>> -> memref<16x128xf32, #tpu.memory_space<vmem>>
        %dma_start3A_54 = arith.constant 9984 : i32
        %dma_start3A_55 = arith.constant 0 : i32
        %dma_start3A_56 = tpu.memref_slice %arg4[%dma_start3A_54, %dma_start3A_55] : memref<10000x128xf32, #tpu.memory_space<vmem_shared>> -> memref<16x128xf32, #tpu.memory_space<vmem_shared>>
        %dma_start3A_57 = arith.constant 0 : i32
        %dma_start3A_58 = arith.constant 0 : i32
        %dma_start3A_59 = tpu.memref_slice %arg5[%dma_start3A_57, %dma_start3A_58] : memref<80x128xf32, #tpu.memory_space<vmem>> -> memref<16x128xf32, #tpu.memory_space<vmem>>
        %dma_start3A_60 = arith.constant 9984 : i32
        %dma_start3A_61 = arith.constant 0 : i32
        %dma_start3A_62 = tpu.memref_slice %arg4[%dma_start3A_60, %dma_start3A_61] : memref<10000x128xf32, #tpu.memory_space<vmem_shared>> -> memref<16x128xf32, #tpu.memory_space<vmem_shared>>
        tpu.enqueue_dma source(%dma_start3A_62 : memref<16x128xf32, #tpu.memory_space<vmem_shared>>) target(%dma_start3A_59 : memref<16x128xf32, #tpu.memory_space<vmem>>) target_semaphore(%run_scoped3A : memref<!tpu.dma_semaphore, #tpu.memory_space<semaphore_mem>>)
        %dma_wait3A = arith.constant 0 : i32
        %dma_wait3A_63 = arith.constant 0 : i32
        %dma_wait3A_64 = tpu.memref_slice %arg5[%dma_wait3A, %dma_wait3A_63] : memref<80x128xf32, #tpu.memory_space<vmem>> -> memref<16x128xf32, #tpu.memory_space<vmem>>
        %dma_wait3A_65 = arith.constant 9984 : i32
        %dma_wait3A_66 = arith.constant 0 : i32
        %dma_wait3A_67 = tpu.memref_slice %arg4[%dma_wait3A_65, %dma_wait3A_66] : memref<10000x128xf32, #tpu.memory_space<vmem_shared>> -> memref<16x128xf32, #tpu.memory_space<vmem_shared>>
        %dma_wait3A_68 = arith.constant 0 : i32
        %dma_wait3A_69 = arith.constant 0 : i32
        %dma_wait3A_70 = tpu.memref_slice %arg5[%dma_wait3A_68, %dma_wait3A_69] : memref<80x128xf32, #tpu.memory_space<vmem>> -> memref<16x128xf32, #tpu.memory_space<vmem>>
        %dma_wait3A_71 = arith.constant 9984 : i32
        %dma_wait3A_72 = arith.constant 0 : i32
        %dma_wait3A_73 = tpu.memref_slice %arg4[%dma_wait3A_71, %dma_wait3A_72] : memref<10000x128xf32, #tpu.memory_space<vmem_shared>> -> memref<16x128xf32, #tpu.memory_space<vmem_shared>>
        tpu.wait_dma2 semaphore(%run_scoped3A : memref<!tpu.dma_semaphore, #tpu.memory_space<semaphore_mem>>) src(%dma_wait3A_73 : memref<16x128xf32, #tpu.memory_space<vmem_shared>>) dst(%dma_wait3A_70 : memref<16x128xf32, #tpu.memory_space<vmem>>)
        tpu.yield
      }) : () -> ()
      %add3A_50 = arith.constant 9984 : i32
      %add3A_51 = arith.addi %mul3A_33, %add3A_50 : i32
      "tpu.region"() ({
        %run_scoped3A = tpu.sem_alloc : memref<!tpu.dma_semaphore, #tpu.memory_space<semaphore_mem>>
        %dma_start3A = arith.constant 0 : i32
        %dma_start3A_52 = arith.constant 0 : i32
        %dma_start3A_53 = tpu.memref_slice %arg5[%dma_start3A, %dma_start3A_52] : memref<80x128xf32, #tpu.memory_space<vmem>> -> memref<16x128xf32, #tpu.memory_space<vmem>>
        %dma_start3A_54 = arith.constant 0 : i32
        %dma_start3A_55 = tpu.memref_slice %arg3[%add3A_51, %dma_start3A_54] : memref<20000x128xf32, #tpu.memory_space<hbm>> -> memref<16x128xf32, #tpu.memory_space<hbm>>
        %dma_start3A_56 = arith.constant 0 : i32
        %dma_start3A_57 = tpu.memref_slice %arg3[%add3A_51, %dma_start3A_56] : memref<20000x128xf32, #tpu.memory_space<hbm>> -> memref<16x128xf32, #tpu.memory_space<hbm>>
        %dma_start3A_58 = arith.constant 0 : i32
        %dma_start3A_59 = arith.constant 0 : i32
        %dma_start3A_60 = tpu.memref_slice %arg5[%dma_start3A_58, %dma_start3A_59] : memref<80x128xf32, #tpu.memory_space<vmem>> -> memref<16x128xf32, #tpu.memory_space<vmem>>
        tpu.enqueue_dma source(%dma_start3A_60 : memref<16x128xf32, #tpu.memory_space<vmem>>) target(%dma_start3A_57 : memref<16x128xf32, #tpu.memory_space<hbm>>) target_semaphore(%run_scoped3A : memref<!tpu.dma_semaphore, #tpu.memory_space<semaphore_mem>>)
        %dma_wait3A = arith.constant 0 : i32
        %dma_wait3A_61 = arith.constant 0 : i32
        %dma_wait3A_62 = tpu.memref_slice %arg5[%dma_wait3A, %dma_wait3A_61] : memref<80x128xf32, #tpu.memory_space<vmem>> -> memref<16x128xf32, #tpu.memory_space<vmem>>
        %dma_wait3A_63 = arith.constant 0 : i32
        %dma_wait3A_64 = tpu.memref_slice %arg3[%add3A_51, %dma_wait3A_63] : memref<20000x128xf32, #tpu.memory_space<hbm>> -> memref<16x128xf32, #tpu.memory_space<hbm>>
        %dma_wait3A_65 = arith.constant 0 : i32
        %dma_wait3A_66 = tpu.memref_slice %arg3[%add3A_51, %dma_wait3A_65] : memref<20000x128xf32, #tpu.memory_space<hbm>> -> memref<16x128xf32, #tpu.memory_space<hbm>>
        %dma_wait3A_67 = arith.constant 0 : i32
        %dma_wait3A_68 = arith.constant 0 : i32
        %dma_wait3A_69 = tpu.memref_slice %arg5[%dma_wait3A_67, %dma_wait3A_68] : memref<80x128xf32, #tpu.memory_space<vmem>> -> memref<16x128xf32, #tpu.memory_space<vmem>>
        tpu.wait_dma2 semaphore(%run_scoped3A : memref<!tpu.dma_semaphore, #tpu.memory_space<semaphore_mem>>) src(%dma_wait3A_69 : memref<16x128xf32, #tpu.memory_space<vmem>>) dst(%dma_wait3A_66 : memref<16x128xf32, #tpu.memory_space<hbm>>)
        tpu.yield
      }) : () -> ()
    } else {
    }
    return
  }
}

#map = affine_map<(d0, d1) -> (0, 0)>
#map1 = affine_map<(d0, d1) -> (0)>
module attributes {stable_mosaic.version = 14 : i64} {
  func.func @_edge_body(%arg0: i32, %arg1: i32, %arg2: memref<20000x128xf32, #tpu.memory_space<hbm>>, %arg3: memref<20000x128xf32, #tpu.memory_space<hbm>>, %arg4: memref<320000x128xf32, #tpu.memory_space<hbm>>, %arg5: memref<160000xi32, #tpu.memory_space<hbm>>, %arg6: memref<160000xi32, #tpu.memory_space<hbm>>, %arg7: memref<20000x128xf32, #tpu.memory_space<hbm>>, %arg8: memref<10000x128xf32, #tpu.memory_space<vmem_shared>>, %arg9: memref<80x128xf32, #tpu.memory_space<vmem>>, %arg10: memref<80x128xf32, #tpu.memory_space<vmem>>, %arg11: memref<80x128xf32, #tpu.memory_space<vmem>>, %arg12: memref<80xi32, #tpu.memory_space<vmem>>, %arg13: memref<80xi32, #tpu.memory_space<vmem>>, %arg14: memref<80xi32, #tpu.memory_space<vmem>>, %arg15: memref<80xi32, #tpu.memory_space<vmem>>, %arg16: memref<!tpu.dma_semaphore, #tpu.memory_space<semaphore_mem>>, %arg17: memref<!tpu.dma_semaphore, #tpu.memory_space<semaphore_mem>>) attributes {dimension_semantics = [#tpu.dimension_semantics<core_parallel>, #tpu.dimension_semantics<subcore_parallel>], iteration_bounds = array<i64: 2, 16>, scalar_prefetch = 0 : i64, scratch_operands = 10 : i64, tpu.core_type = #tpu.core_type<sc_vector_subcore>, window_params = [{transform_indices = #map}, {transform_indices = #map}, {transform_indices = #map}, {transform_indices = #map1}, {transform_indices = #map1}, {transform_indices = #map}]} {
    %broadcast_in_dim3A = arith.constant 0.000000e+00 : f32
    %broadcast_in_dim3A_0 = vector.broadcast %broadcast_in_dim3A : f32 to vector<16xf32>
    %scan3A = arith.constant 0 : i32
    %scan3A_1 = arith.constant 0 : i32
    %scan3A_2 = arith.constant 80 : i32
    %scan3A_3 = arith.addi %scan3A_1, %scan3A_2 : i32
    %scan3A_4 = arith.constant 1 : i32
    scf.for %scan3A_43 = %scan3A_1 to %scan3A_3 step %scan3A_4  : i32 {
      %swap3A = arith.index_cast %scan3A_43 : i32 to index
      %swap3A_44 = arith.constant 0 : index
      %swap3A_45 = tpu.vector_load %arg9[%swap3A, %swap3A_44] {strides = array<i32>} : memref<80x128xf32, #tpu.memory_space<vmem>>, vector<1x16xf32>,
      %swap3A_46 = vector.shape_cast %swap3A_45 : vector<1x16xf32> to vector<16xf32>
      %swap3A_47 = vector.shape_cast %broadcast_in_dim3A_0 : vector<16xf32> to vector<1x16xf32>
      tpu.vector_store %arg9[%swap3A, %swap3A_44], %swap3A_47 {strides = array<i32>} : memref<80x128xf32, #tpu.memory_space<vmem>>, vector<1x16xf32>,
      %swap3A_48 = arith.index_cast %scan3A_43 : i32 to index
      %swap3A_49 = arith.constant 16 : index
      %swap3A_50 = tpu.vector_load %arg9[%swap3A_48, %swap3A_49] {strides = array<i32>} : memref<80x128xf32, #tpu.memory_space<vmem>>, vector<1x16xf32>,
      %swap3A_51 = vector.shape_cast %swap3A_50 : vector<1x16xf32> to vector<16xf32>
      %swap3A_52 = vector.shape_cast %broadcast_in_dim3A_0 : vector<16xf32> to vector<1x16xf32>
      tpu.vector_store %arg9[%swap3A_48, %swap3A_49], %swap3A_52 {strides = array<i32>} : memref<80x128xf32, #tpu.memory_space<vmem>>, vector<1x16xf32>,
      %swap3A_53 = arith.index_cast %scan3A_43 : i32 to index
      %swap3A_54 = arith.constant 32 : index
      %swap3A_55 = tpu.vector_load %arg9[%swap3A_53, %swap3A_54] {strides = array<i32>} : memref<80x128xf32, #tpu.memory_space<vmem>>, vector<1x16xf32>,
      %swap3A_56 = vector.shape_cast %swap3A_55 : vector<1x16xf32> to vector<16xf32>
      %swap3A_57 = vector.shape_cast %broadcast_in_dim3A_0 : vector<16xf32> to vector<1x16xf32>
      tpu.vector_store %arg9[%swap3A_53, %swap3A_54], %swap3A_57 {strides = array<i32>} : memref<80x128xf32, #tpu.memory_space<vmem>>, vector<1x16xf32>,
      %swap3A_58 = arith.index_cast %scan3A_43 : i32 to index
      %swap3A_59 = arith.constant 48 : index
      %swap3A_60 = tpu.vector_load %arg9[%swap3A_58, %swap3A_59] {strides = array<i32>} : memref<80x128xf32, #tpu.memory_space<vmem>>, vector<1x16xf32>,
      %swap3A_61 = vector.shape_cast %swap3A_60 : vector<1x16xf32> to vector<16xf32>
      %swap3A_62 = vector.shape_cast %broadcast_in_dim3A_0 : vector<16xf32> to vector<1x16xf32>
      tpu.vector_store %arg9[%swap3A_58, %swap3A_59], %swap3A_62 {strides = array<i32>} : memref<80x128xf32, #tpu.memory_space<vmem>>, vector<1x16xf32>,
      %swap3A_63 = arith.index_cast %scan3A_43 : i32 to index
      %swap3A_64 = arith.constant 64 : index
      %swap3A_65 = tpu.vector_load %arg9[%swap3A_63, %swap3A_64] {strides = array<i32>} : memref<80x128xf32, #tpu.memory_space<vmem>>, vector<1x16xf32>,
      %swap3A_66 = vector.shape_cast %swap3A_65 : vector<1x16xf32> to vector<16xf32>
      %swap3A_67 = vector.shape_cast %broadcast_in_dim3A_0 : vector<16xf32> to vector<1x16xf32>
      tpu.vector_store %arg9[%swap3A_63, %swap3A_64], %swap3A_67 {strides = array<i32>} : memref<80x128xf32, #tpu.memory_space<vmem>>, vector<1x16xf32>,
      %swap3A_68 = arith.index_cast %scan3A_43 : i32 to index
      %swap3A_69 = arith.constant 80 : index
      %swap3A_70 = tpu.vector_load %arg9[%swap3A_68, %swap3A_69] {strides = array<i32>} : memref<80x128xf32, #tpu.memory_space<vmem>>, vector<1x16xf32>,
      %swap3A_71 = vector.shape_cast %swap3A_70 : vector<1x16xf32> to vector<16xf32>
      %swap3A_72 = vector.shape_cast %broadcast_in_dim3A_0 : vector<16xf32> to vector<1x16xf32>
      tpu.vector_store %arg9[%swap3A_68, %swap3A_69], %swap3A_72 {strides = array<i32>} : memref<80x128xf32, #tpu.memory_space<vmem>>, vector<1x16xf32>,
      %swap3A_73 = arith.index_cast %scan3A_43 : i32 to index
      %swap3A_74 = arith.constant 96 : index
      %swap3A_75 = tpu.vector_load %arg9[%swap3A_73, %swap3A_74] {strides = array<i32>} : memref<80x128xf32, #tpu.memory_space<vmem>>, vector<1x16xf32>,
      %swap3A_76 = vector.shape_cast %swap3A_75 : vector<1x16xf32> to vector<16xf32>
      %swap3A_77 = vector.shape_cast %broadcast_in_dim3A_0 : vector<16xf32> to vector<1x16xf32>
      tpu.vector_store %arg9[%swap3A_73, %swap3A_74], %swap3A_77 {strides = array<i32>} : memref<80x128xf32, #tpu.memory_space<vmem>>, vector<1x16xf32>,
      %swap3A_78 = arith.index_cast %scan3A_43 : i32 to index
      %swap3A_79 = arith.constant 112 : index
      %swap3A_80 = tpu.vector_load %arg9[%swap3A_78, %swap3A_79] {strides = array<i32>} : memref<80x128xf32, #tpu.memory_space<vmem>>, vector<1x16xf32>,
      %swap3A_81 = vector.shape_cast %swap3A_80 : vector<1x16xf32> to vector<16xf32>
      %swap3A_82 = vector.shape_cast %broadcast_in_dim3A_0 : vector<16xf32> to vector<1x16xf32>
      tpu.vector_store %arg9[%swap3A_78, %swap3A_79], %swap3A_82 {strides = array<i32>} : memref<80x128xf32, #tpu.memory_space<vmem>>, vector<1x16xf32>,
    }
    %scan3A_5 = arith.constant 80 : i32
    %mul3A = arith.constant 624 : i32
    %mul3A_6 = arith.muli %arg1, %mul3A : i32
    %scan3A_7 = arith.constant 0 : i32
    %scan3A_8 = arith.constant 0 : i32
    %scan3A_9 = arith.constant 7 : i32
    %scan3A_10 = arith.addi %scan3A_8, %scan3A_9 : i32
    %scan3A_11 = arith.constant 1 : i32
    scf.for %scan3A_43 = %scan3A_8 to %scan3A_10 step %scan3A_11  : i32 {
      %mul3A_44 = arith.constant 80 : i32
      %mul3A_45 = arith.muli %scan3A_43, %mul3A_44 : i32
      %add3A_46 = arith.addi %mul3A_6, %mul3A_45 : i32
      "tpu.region"() ({
        %run_scoped3A = tpu.sem_alloc : memref<!tpu.dma_semaphore, #tpu.memory_space<semaphore_mem>>
        %dma_start3A = arith.constant 0 : i32
        %dma_start3A_47 = tpu.memref_slice %arg8[%add3A_46, %dma_start3A] : memref<10000x128xf32, #tpu.memory_space<vmem_shared>> -> memref<80x128xf32, #tpu.memory_space<vmem_shared>>
        %dma_start3A_48 = arith.constant 0 : i32
        %dma_start3A_49 = tpu.memref_slice %arg8[%add3A_46, %dma_start3A_48] : memref<10000x128xf32, #tpu.memory_space<vmem_shared>> -> memref<80x128xf32, #tpu.memory_space<vmem_shared>>
        tpu.enqueue_dma source(%arg9 : memref<80x128xf32, #tpu.memory_space<vmem>>) target(%dma_start3A_49 : memref<80x128xf32, #tpu.memory_space<vmem_shared>>) target_semaphore(%run_scoped3A : memref<!tpu.dma_semaphore, #tpu.memory_space<semaphore_mem>>)
        %dma_wait3A = arith.constant 0 : i32
        %dma_wait3A_50 = tpu.memref_slice %arg8[%add3A_46, %dma_wait3A] : memref<10000x128xf32, #tpu.memory_space<vmem_shared>> -> memref<80x128xf32, #tpu.memory_space<vmem_shared>>
        %dma_wait3A_51 = arith.constant 0 : i32
        %dma_wait3A_52 = tpu.memref_slice %arg8[%add3A_46, %dma_wait3A_51] : memref<10000x128xf32, #tpu.memory_space<vmem_shared>> -> memref<80x128xf32, #tpu.memory_space<vmem_shared>>
        tpu.wait_dma2 semaphore(%run_scoped3A : memref<!tpu.dma_semaphore, #tpu.memory_space<semaphore_mem>>) src(%arg9 : memref<80x128xf32, #tpu.memory_space<vmem>>) dst(%dma_wait3A_52 : memref<80x128xf32, #tpu.memory_space<vmem_shared>>)
        tpu.yield
      }) : () -> ()
    }
    %scan3A_12 = arith.constant 7 : i32
    %add3A = arith.constant 560 : i32
    %add3A_13 = arith.addi %mul3A_6, %add3A : i32
    "tpu.region"() ({
      %run_scoped3A = tpu.sem_alloc : memref<!tpu.dma_semaphore, #tpu.memory_space<semaphore_mem>>
      %dma_start3A = arith.constant 0 : i32
      %dma_start3A_43 = arith.constant 0 : i32
      %dma_start3A_44 = tpu.memref_slice %arg9[%dma_start3A, %dma_start3A_43] : memref<80x128xf32, #tpu.memory_space<vmem>> -> memref<64x128xf32, #tpu.memory_space<vmem>>
      %dma_start3A_45 = arith.constant 0 : i32
      %dma_start3A_46 = tpu.memref_slice %arg8[%add3A_13, %dma_start3A_45] : memref<10000x128xf32, #tpu.memory_space<vmem_shared>> -> memref<64x128xf32, #tpu.memory_space<vmem_shared>>
      %dma_start3A_47 = arith.constant 0 : i32
      %dma_start3A_48 = tpu.memref_slice %arg8[%add3A_13, %dma_start3A_47] : memref<10000x128xf32, #tpu.memory_space<vmem_shared>> -> memref<64x128xf32, #tpu.memory_space<vmem_shared>>
      %dma_start3A_49 = arith.constant 0 : i32
      %dma_start3A_50 = arith.constant 0 : i32
      %dma_start3A_51 = tpu.memref_slice %arg9[%dma_start3A_49, %dma_start3A_50] : memref<80x128xf32, #tpu.memory_space<vmem>> -> memref<64x128xf32, #tpu.memory_space<vmem>>
      tpu.enqueue_dma source(%dma_start3A_51 : memref<64x128xf32, #tpu.memory_space<vmem>>) target(%dma_start3A_48 : memref<64x128xf32, #tpu.memory_space<vmem_shared>>) target_semaphore(%run_scoped3A : memref<!tpu.dma_semaphore, #tpu.memory_space<semaphore_mem>>)
      %dma_wait3A = arith.constant 0 : i32
      %dma_wait3A_52 = arith.constant 0 : i32
      %dma_wait3A_53 = tpu.memref_slice %arg9[%dma_wait3A, %dma_wait3A_52] : memref<80x128xf32, #tpu.memory_space<vmem>> -> memref<64x128xf32, #tpu.memory_space<vmem>>
      %dma_wait3A_54 = arith.constant 0 : i32
      %dma_wait3A_55 = tpu.memref_slice %arg8[%add3A_13, %dma_wait3A_54] : memref<10000x128xf32, #tpu.memory_space<vmem_shared>> -> memref<64x128xf32, #tpu.memory_space<vmem_shared>>
      %dma_wait3A_56 = arith.constant 0 : i32
      %dma_wait3A_57 = tpu.memref_slice %arg8[%add3A_13, %dma_wait3A_56] : memref<10000x128xf32, #tpu.memory_space<vmem_shared>> -> memref<64x128xf32, #tpu.memory_space<vmem_shared>>
      %dma_wait3A_58 = arith.constant 0 : i32
      %dma_wait3A_59 = arith.constant 0 : i32
      %dma_wait3A_60 = tpu.memref_slice %arg9[%dma_wait3A_58, %dma_wait3A_59] : memref<80x128xf32, #tpu.memory_space<vmem>> -> memref<64x128xf32, #tpu.memory_space<vmem>>
      tpu.wait_dma2 semaphore(%run_scoped3A : memref<!tpu.dma_semaphore, #tpu.memory_space<semaphore_mem>>) src(%dma_wait3A_60 : memref<64x128xf32, #tpu.memory_space<vmem>>) dst(%dma_wait3A_57 : memref<64x128xf32, #tpu.memory_space<vmem_shared>>)
      tpu.yield
    }) : () -> ()
    %eq3A = arith.constant 15 : i32
    %eq3A_14 = arith.cmpi eq, %arg1, %eq3A : i32
    %convert_element_type3A = arith.extui %eq3A_14 : i1 to i32
    %cond3A = arith.constant 0 : i32
    %cond3A_15 = arith.cmpi ne, %convert_element_type3A, %cond3A : i32
    scf.if %cond3A_15 {
      "tpu.region"() ({
        %run_scoped3A = tpu.sem_alloc : memref<!tpu.dma_semaphore, #tpu.memory_space<semaphore_mem>>
        %dma_start3A = arith.constant 0 : i32
        %dma_start3A_43 = arith.constant 0 : i32
        %dma_start3A_44 = tpu.memref_slice %arg9[%dma_start3A, %dma_start3A_43] : memref<80x128xf32, #tpu.memory_space<vmem>> -> memref<16x128xf32, #tpu.memory_space<vmem>>
        %dma_start3A_45 = arith.constant 9984 : i32
        %dma_start3A_46 = arith.constant 0 : i32
        %dma_start3A_47 = tpu.memref_slice %arg8[%dma_start3A_45, %dma_start3A_46] : memref<10000x128xf32, #tpu.memory_space<vmem_shared>> -> memref<16x128xf32, #tpu.memory_space<vmem_shared>>
        %dma_start3A_48 = arith.constant 9984 : i32
        %dma_start3A_49 = arith.constant 0 : i32
        %dma_start3A_50 = tpu.memref_slice %arg8[%dma_start3A_48, %dma_start3A_49] : memref<10000x128xf32, #tpu.memory_space<vmem_shared>> -> memref<16x128xf32, #tpu.memory_space<vmem_shared>>
        %dma_start3A_51 = arith.constant 0 : i32
        %dma_start3A_52 = arith.constant 0 : i32
        %dma_start3A_53 = tpu.memref_slice %arg9[%dma_start3A_51, %dma_start3A_52] : memref<80x128xf32, #tpu.memory_space<vmem>> -> memref<16x128xf32, #tpu.memory_space<vmem>>
        tpu.enqueue_dma source(%dma_start3A_53 : memref<16x128xf32, #tpu.memory_space<vmem>>) target(%dma_start3A_50 : memref<16x128xf32, #tpu.memory_space<vmem_shared>>) target_semaphore(%run_scoped3A : memref<!tpu.dma_semaphore, #tpu.memory_space<semaphore_mem>>)
        %dma_wait3A = arith.constant 0 : i32
        %dma_wait3A_54 = arith.constant 0 : i32
        %dma_wait3A_55 = tpu.memref_slice %arg9[%dma_wait3A, %dma_wait3A_54] : memref<80x128xf32, #tpu.memory_space<vmem>> -> memref<16x128xf32, #tpu.memory_space<vmem>>
        %dma_wait3A_56 = arith.constant 9984 : i32
        %dma_wait3A_57 = arith.constant 0 : i32
        %dma_wait3A_58 = tpu.memref_slice %arg8[%dma_wait3A_56, %dma_wait3A_57] : memref<10000x128xf32, #tpu.memory_space<vmem_shared>> -> memref<16x128xf32, #tpu.memory_space<vmem_shared>>
        %dma_wait3A_59 = arith.constant 9984 : i32
        %dma_wait3A_60 = arith.constant 0 : i32
        %dma_wait3A_61 = tpu.memref_slice %arg8[%dma_wait3A_59, %dma_wait3A_60] : memref<10000x128xf32, #tpu.memory_space<vmem_shared>> -> memref<16x128xf32, #tpu.memory_space<vmem_shared>>
        %dma_wait3A_62 = arith.constant 0 : i32
        %dma_wait3A_63 = arith.constant 0 : i32
        %dma_wait3A_64 = tpu.memref_slice %arg9[%dma_wait3A_62, %dma_wait3A_63] : memref<80x128xf32, #tpu.memory_space<vmem>> -> memref<16x128xf32, #tpu.memory_space<vmem>>
        tpu.wait_dma2 semaphore(%run_scoped3A : memref<!tpu.dma_semaphore, #tpu.memory_space<semaphore_mem>>) src(%dma_wait3A_64 : memref<16x128xf32, #tpu.memory_space<vmem>>) dst(%dma_wait3A_61 : memref<16x128xf32, #tpu.memory_space<vmem_shared>>)
        tpu.yield
      }) : () -> ()
    } else {
    }
    %barrier3A = arith.constant 0 : index
    tpu.barrier barrier_id(%barrier3A)
    %mul3A_16 = arith.constant 10000 : i32
    %mul3A_17 = arith.muli %arg1, %mul3A_16 : i32
    %mul3A_18 = arith.constant 10000 : i32
    %mul3A_19 = arith.muli %arg0, %mul3A_18 : i32
    %scan3A_20 = arith.constant 0 : i32
    %scan3A_21 = arith.constant 0 : i32
    %scan3A_22 = arith.constant 125 : i32
    %scan3A_23 = arith.addi %scan3A_21, %scan3A_22 : i32
    %scan3A_24 = arith.constant 1 : i32
    scf.for %scan3A_43 = %scan3A_21 to %scan3A_23 step %scan3A_24  : i32 {
      %mul3A_44 = arith.constant 80 : i32
      %mul3A_45 = arith.muli %scan3A_43, %mul3A_44 : i32
      %add3A_46 = arith.addi %mul3A_17, %mul3A_45 : i32
      "tpu.region"() ({
        %run_scoped3A = tpu.sem_alloc : memref<!tpu.dma_semaphore, #tpu.memory_space<semaphore_mem>>
        %dma_start3A_154 = tpu.memref_slice %arg5[%add3A_46] : memref<160000xi32, #tpu.memory_space<hbm>> -> memref<80xi32, #tpu.memory_space<hbm>>
        %dma_start3A_155 = tpu.memref_slice %arg5[%add3A_46] : memref<160000xi32, #tpu.memory_space<hbm>> -> memref<80xi32, #tpu.memory_space<hbm>>
        tpu.enqueue_dma source(%dma_start3A_155 : memref<80xi32, #tpu.memory_space<hbm>>) target(%arg12 : memref<80xi32, #tpu.memory_space<vmem>>) target_semaphore(%run_scoped3A : memref<!tpu.dma_semaphore, #tpu.memory_space<semaphore_mem>>)
        %dma_wait3A_156 = tpu.memref_slice %arg5[%add3A_46] : memref<160000xi32, #tpu.memory_space<hbm>> -> memref<80xi32, #tpu.memory_space<hbm>>
        %dma_wait3A_157 = tpu.memref_slice %arg5[%add3A_46] : memref<160000xi32, #tpu.memory_space<hbm>> -> memref<80xi32, #tpu.memory_space<hbm>>
        tpu.wait_dma2 semaphore(%run_scoped3A : memref<!tpu.dma_semaphore, #tpu.memory_space<semaphore_mem>>) src(%dma_wait3A_157 : memref<80xi32, #tpu.memory_space<hbm>>) dst(%arg12 : memref<80xi32, #tpu.memory_space<vmem>>)
        tpu.yield
      }) : () -> ()
      "tpu.region"() ({
        %run_scoped3A = tpu.sem_alloc : memref<!tpu.dma_semaphore, #tpu.memory_space<semaphore_mem>>
        %dma_start3A_154 = tpu.memref_slice %arg6[%add3A_46] : memref<160000xi32, #tpu.memory_space<hbm>> -> memref<80xi32, #tpu.memory_space<hbm>>
        %dma_start3A_155 = tpu.memref_slice %arg6[%add3A_46] : memref<160000xi32, #tpu.memory_space<hbm>> -> memref<80xi32, #tpu.memory_space<hbm>>
        tpu.enqueue_dma source(%dma_start3A_155 : memref<80xi32, #tpu.memory_space<hbm>>) target(%arg13 : memref<80xi32, #tpu.memory_space<vmem>>) target_semaphore(%run_scoped3A : memref<!tpu.dma_semaphore, #tpu.memory_space<semaphore_mem>>)
        %dma_wait3A_156 = tpu.memref_slice %arg6[%add3A_46] : memref<160000xi32, #tpu.memory_space<hbm>> -> memref<80xi32, #tpu.memory_space<hbm>>
        %dma_wait3A_157 = tpu.memref_slice %arg6[%add3A_46] : memref<160000xi32, #tpu.memory_space<hbm>> -> memref<80xi32, #tpu.memory_space<hbm>>
        tpu.wait_dma2 semaphore(%run_scoped3A : memref<!tpu.dma_semaphore, #tpu.memory_space<semaphore_mem>>) src(%dma_wait3A_157 : memref<80xi32, #tpu.memory_space<hbm>>) dst(%arg13 : memref<80xi32, #tpu.memory_space<vmem>>)
        tpu.yield
      }) : () -> ()
      %get3A = arith.constant 0 : index
      %get3A_47 = tpu.vector_load %arg12[%get3A] {strides = array<i32>} : memref<80xi32, #tpu.memory_space<vmem>>, vector<16xi32>,
      %get3A_48 = vector.shape_cast %get3A_47 : vector<16xi32> to vector<16xi32>
      %add3A_49 = vector.broadcast %mul3A_19 : i32 to vector<16xi32>
      %add3A_50 = arith.addi %get3A_48, %add3A_49 : vector<16xi32>
      %swap3A = arith.constant 0 : index
      %swap3A_51 = tpu.vector_load %arg14[%swap3A] {strides = array<i32>} : memref<80xi32, #tpu.memory_space<vmem>>, vector<16xi32>,
      %swap3A_52 = vector.shape_cast %swap3A_51 : vector<16xi32> to vector<16xi32>
      %swap3A_53 = vector.shape_cast %add3A_50 : vector<16xi32> to vector<16xi32>
      tpu.vector_store %arg14[%swap3A], %swap3A_53 {strides = array<i32>} : memref<80xi32, #tpu.memory_space<vmem>>, vector<16xi32>,
      %get3A_54 = arith.constant 0 : index
      %get3A_55 = tpu.vector_load %arg13[%get3A_54] {strides = array<i32>} : memref<80xi32, #tpu.memory_space<vmem>>, vector<16xi32>,
      %get3A_56 = vector.shape_cast %get3A_55 : vector<16xi32> to vector<16xi32>
      %add3A_57 = vector.broadcast %mul3A_19 : i32 to vector<16xi32>
      %add3A_58 = arith.addi %get3A_56, %add3A_57 : vector<16xi32>
      %swap3A_59 = arith.constant 0 : index
      %swap3A_60 = tpu.vector_load %arg15[%swap3A_59] {strides = array<i32>} : memref<80xi32, #tpu.memory_space<vmem>>, vector<16xi32>,
      %swap3A_61 = vector.shape_cast %swap3A_60 : vector<16xi32> to vector<16xi32>
      %swap3A_62 = vector.shape_cast %add3A_58 : vector<16xi32> to vector<16xi32>
      tpu.vector_store %arg15[%swap3A_59], %swap3A_62 {strides = array<i32>} : memref<80xi32, #tpu.memory_space<vmem>>, vector<16xi32>,
      %get3A_63 = arith.constant 16 : index
      %get3A_64 = tpu.vector_load %arg12[%get3A_63] {strides = array<i32>} : memref<80xi32, #tpu.memory_space<vmem>>, vector<16xi32>,
      %get3A_65 = vector.shape_cast %get3A_64 : vector<16xi32> to vector<16xi32>
      %add3A_66 = vector.broadcast %mul3A_19 : i32 to vector<16xi32>
      %add3A_67 = arith.addi %get3A_65, %add3A_66 : vector<16xi32>
      %swap3A_68 = arith.constant 16 : index
      %swap3A_69 = tpu.vector_load %arg14[%swap3A_68] {strides = array<i32>} : memref<80xi32, #tpu.memory_space<vmem>>, vector<16xi32>,
      %swap3A_70 = vector.shape_cast %swap3A_69 : vector<16xi32> to vector<16xi32>
      %swap3A_71 = vector.shape_cast %add3A_67 : vector<16xi32> to vector<16xi32>
      tpu.vector_store %arg14[%swap3A_68], %swap3A_71 {strides = array<i32>} : memref<80xi32, #tpu.memory_space<vmem>>, vector<16xi32>,
      %get3A_72 = arith.constant 16 : index
      %get3A_73 = tpu.vector_load %arg13[%get3A_72] {strides = array<i32>} : memref<80xi32, #tpu.memory_space<vmem>>, vector<16xi32>,
      %get3A_74 = vector.shape_cast %get3A_73 : vector<16xi32> to vector<16xi32>
      %add3A_75 = vector.broadcast %mul3A_19 : i32 to vector<16xi32>
      %add3A_76 = arith.addi %get3A_74, %add3A_75 : vector<16xi32>
      %swap3A_77 = arith.constant 16 : index
      %swap3A_78 = tpu.vector_load %arg15[%swap3A_77] {strides = array<i32>} : memref<80xi32, #tpu.memory_space<vmem>>, vector<16xi32>,
      %swap3A_79 = vector.shape_cast %swap3A_78 : vector<16xi32> to vector<16xi32>
      %swap3A_80 = vector.shape_cast %add3A_76 : vector<16xi32> to vector<16xi32>
      tpu.vector_store %arg15[%swap3A_77], %swap3A_80 {strides = array<i32>} : memref<80xi32, #tpu.memory_space<vmem>>, vector<16xi32>,
      %get3A_81 = arith.constant 32 : index
      %get3A_82 = tpu.vector_load %arg12[%get3A_81] {strides = array<i32>} : memref<80xi32, #tpu.memory_space<vmem>>, vector<16xi32>,
      %get3A_83 = vector.shape_cast %get3A_82 : vector<16xi32> to vector<16xi32>
      %add3A_84 = vector.broadcast %mul3A_19 : i32 to vector<16xi32>
      %add3A_85 = arith.addi %get3A_83, %add3A_84 : vector<16xi32>
      %swap3A_86 = arith.constant 32 : index
      %swap3A_87 = tpu.vector_load %arg14[%swap3A_86] {strides = array<i32>} : memref<80xi32, #tpu.memory_space<vmem>>, vector<16xi32>,
      %swap3A_88 = vector.shape_cast %swap3A_87 : vector<16xi32> to vector<16xi32>
      %swap3A_89 = vector.shape_cast %add3A_85 : vector<16xi32> to vector<16xi32>
      tpu.vector_store %arg14[%swap3A_86], %swap3A_89 {strides = array<i32>} : memref<80xi32, #tpu.memory_space<vmem>>, vector<16xi32>,
      %get3A_90 = arith.constant 32 : index
      %get3A_91 = tpu.vector_load %arg13[%get3A_90] {strides = array<i32>} : memref<80xi32, #tpu.memory_space<vmem>>, vector<16xi32>,
      %get3A_92 = vector.shape_cast %get3A_91 : vector<16xi32> to vector<16xi32>
      %add3A_93 = vector.broadcast %mul3A_19 : i32 to vector<16xi32>
      %add3A_94 = arith.addi %get3A_92, %add3A_93 : vector<16xi32>
      %swap3A_95 = arith.constant 32 : index
      %swap3A_96 = tpu.vector_load %arg15[%swap3A_95] {strides = array<i32>} : memref<80xi32, #tpu.memory_space<vmem>>, vector<16xi32>,
      %swap3A_97 = vector.shape_cast %swap3A_96 : vector<16xi32> to vector<16xi32>
      %swap3A_98 = vector.shape_cast %add3A_94 : vector<16xi32> to vector<16xi32>
      tpu.vector_store %arg15[%swap3A_95], %swap3A_98 {strides = array<i32>} : memref<80xi32, #tpu.memory_space<vmem>>, vector<16xi32>,
      %get3A_99 = arith.constant 48 : index
      %get3A_100 = tpu.vector_load %arg12[%get3A_99] {strides = array<i32>} : memref<80xi32, #tpu.memory_space<vmem>>, vector<16xi32>,
      %get3A_101 = vector.shape_cast %get3A_100 : vector<16xi32> to vector<16xi32>
      %add3A_102 = vector.broadcast %mul3A_19 : i32 to vector<16xi32>
      %add3A_103 = arith.addi %get3A_101, %add3A_102 : vector<16xi32>
      %swap3A_104 = arith.constant 48 : index
      %swap3A_105 = tpu.vector_load %arg14[%swap3A_104] {strides = array<i32>} : memref<80xi32, #tpu.memory_space<vmem>>, vector<16xi32>,
      %swap3A_106 = vector.shape_cast %swap3A_105 : vector<16xi32> to vector<16xi32>
      %swap3A_107 = vector.shape_cast %add3A_103 : vector<16xi32> to vector<16xi32>
      tpu.vector_store %arg14[%swap3A_104], %swap3A_107 {strides = array<i32>} : memref<80xi32, #tpu.memory_space<vmem>>, vector<16xi32>,
      %get3A_108 = arith.constant 48 : index
      %get3A_109 = tpu.vector_load %arg13[%get3A_108] {strides = array<i32>} : memref<80xi32, #tpu.memory_space<vmem>>, vector<16xi32>,
      %get3A_110 = vector.shape_cast %get3A_109 : vector<16xi32> to vector<16xi32>
      %add3A_111 = vector.broadcast %mul3A_19 : i32 to vector<16xi32>
      %add3A_112 = arith.addi %get3A_110, %add3A_111 : vector<16xi32>
      %swap3A_113 = arith.constant 48 : index
      %swap3A_114 = tpu.vector_load %arg15[%swap3A_113] {strides = array<i32>} : memref<80xi32, #tpu.memory_space<vmem>>, vector<16xi32>,
      %swap3A_115 = vector.shape_cast %swap3A_114 : vector<16xi32> to vector<16xi32>
      %swap3A_116 = vector.shape_cast %add3A_112 : vector<16xi32> to vector<16xi32>
      tpu.vector_store %arg15[%swap3A_113], %swap3A_116 {strides = array<i32>} : memref<80xi32, #tpu.memory_space<vmem>>, vector<16xi32>,
      %get3A_117 = arith.constant 64 : index
      %get3A_118 = tpu.vector_load %arg12[%get3A_117] {strides = array<i32>} : memref<80xi32, #tpu.memory_space<vmem>>, vector<16xi32>,
      %get3A_119 = vector.shape_cast %get3A_118 : vector<16xi32> to vector<16xi32>
      %add3A_120 = vector.broadcast %mul3A_19 : i32 to vector<16xi32>
      %add3A_121 = arith.addi %get3A_119, %add3A_120 : vector<16xi32>
      %swap3A_122 = arith.constant 64 : index
      %swap3A_123 = tpu.vector_load %arg14[%swap3A_122] {strides = array<i32>} : memref<80xi32, #tpu.memory_space<vmem>>, vector<16xi32>,
      %swap3A_124 = vector.shape_cast %swap3A_123 : vector<16xi32> to vector<16xi32>
      %swap3A_125 = vector.shape_cast %add3A_121 : vector<16xi32> to vector<16xi32>
      tpu.vector_store %arg14[%swap3A_122], %swap3A_125 {strides = array<i32>} : memref<80xi32, #tpu.memory_space<vmem>>, vector<16xi32>,
      %get3A_126 = arith.constant 64 : index
      %get3A_127 = tpu.vector_load %arg13[%get3A_126] {strides = array<i32>} : memref<80xi32, #tpu.memory_space<vmem>>, vector<16xi32>,
      %get3A_128 = vector.shape_cast %get3A_127 : vector<16xi32> to vector<16xi32>
      %add3A_129 = vector.broadcast %mul3A_19 : i32 to vector<16xi32>
      %add3A_130 = arith.addi %get3A_128, %add3A_129 : vector<16xi32>
      %swap3A_131 = arith.constant 64 : index
      %swap3A_132 = tpu.vector_load %arg15[%swap3A_131] {strides = array<i32>} : memref<80xi32, #tpu.memory_space<vmem>>, vector<16xi32>,
      %swap3A_133 = vector.shape_cast %swap3A_132 : vector<16xi32> to vector<16xi32>
      %swap3A_134 = vector.shape_cast %add3A_130 : vector<16xi32> to vector<16xi32>
      tpu.vector_store %arg15[%swap3A_131], %swap3A_134 {strides = array<i32>} : memref<80xi32, #tpu.memory_space<vmem>>, vector<16xi32>,
      %dma_start3A = arith.constant 0 : i32
      %dma_start3A_135 = arith.constant 0 : i32
      %dma_start3A_136 = tpu.memref_slice %arg2[%dma_start3A, %dma_start3A_135] : memref<20000x128xf32, #tpu.memory_space<hbm>> -> memref<20000x128xf32, #tpu.memory_space<hbm>>
      tpu.enqueue_indirect_dma source(%dma_start3A_136 : memref<20000x128xf32, #tpu.memory_space<hbm>>) target(%arg9 : memref<80x128xf32, #tpu.memory_space<vmem>>) offsets(%arg14 : memref<80xi32, #tpu.memory_space<vmem>>) semaphore(%arg16 : memref<!tpu.dma_semaphore, #tpu.memory_space<semaphore_mem>>)
      %dma_start3A_137 = arith.constant 0 : i32
      %dma_start3A_138 = arith.constant 0 : i32
      %dma_start3A_139 = tpu.memref_slice %arg3[%dma_start3A_137, %dma_start3A_138] : memref<20000x128xf32, #tpu.memory_space<hbm>> -> memref<20000x128xf32, #tpu.memory_space<hbm>>
      tpu.enqueue_indirect_dma source(%dma_start3A_139 : memref<20000x128xf32, #tpu.memory_space<hbm>>) target(%arg10 : memref<80x128xf32, #tpu.memory_space<vmem>>) offsets(%arg15 : memref<80xi32, #tpu.memory_space<vmem>>) semaphore(%arg17 : memref<!tpu.dma_semaphore, #tpu.memory_space<semaphore_mem>>)
      %mul3A_140 = arith.constant 160000 : i32
      %mul3A_141 = arith.muli %arg0, %mul3A_140 : i32
      %add3A_142 = arith.addi %mul3A_141, %add3A_46 : i32
      "tpu.region"() ({
        %run_scoped3A = tpu.sem_alloc : memref<!tpu.dma_semaphore, #tpu.memory_space<semaphore_mem>>
        %dma_start3A_154 = arith.constant 0 : i32
        %dma_start3A_155 = tpu.memref_slice %arg4[%add3A_142, %dma_start3A_154] : memref<320000x128xf32, #tpu.memory_space<hbm>> -> memref<80x128xf32, #tpu.memory_space<hbm>>
        %dma_start3A_156 = arith.constant 0 : i32
        %dma_start3A_157 = tpu.memref_slice %arg4[%add3A_142, %dma_start3A_156] : memref<320000x128xf32, #tpu.memory_space<hbm>> -> memref<80x128xf32, #tpu.memory_space<hbm>>
        tpu.enqueue_dma source(%dma_start3A_157 : memref<80x128xf32, #tpu.memory_space<hbm>>) target(%arg11 : memref<80x128xf32, #tpu.memory_space<vmem>>) target_semaphore(%run_scoped3A : memref<!tpu.dma_semaphore, #tpu.memory_space<semaphore_mem>>)
        %dma_wait3A_158 = arith.constant 0 : i32
        %dma_wait3A_159 = tpu.memref_slice %arg4[%add3A_142, %dma_wait3A_158] : memref<320000x128xf32, #tpu.memory_space<hbm>> -> memref<80x128xf32, #tpu.memory_space<hbm>>
        %dma_wait3A_160 = arith.constant 0 : i32
        %dma_wait3A_161 = tpu.memref_slice %arg4[%add3A_142, %dma_wait3A_160] : memref<320000x128xf32, #tpu.memory_space<hbm>> -> memref<80x128xf32, #tpu.memory_space<hbm>>
        tpu.wait_dma2 semaphore(%run_scoped3A : memref<!tpu.dma_semaphore, #tpu.memory_space<semaphore_mem>>) src(%dma_wait3A_161 : memref<80x128xf32, #tpu.memory_space<hbm>>) dst(%arg11 : memref<80x128xf32, #tpu.memory_space<vmem>>)
        tpu.yield
      }) : () -> ()
      %dma_wait3A = arith.constant 0 : i32
      %dma_wait3A_143 = arith.constant 0 : i32
      %dma_wait3A_144 = tpu.memref_slice %arg2[%dma_wait3A, %dma_wait3A_143] : memref<20000x128xf32, #tpu.memory_space<hbm>> -> memref<20000x128xf32, #tpu.memory_space<hbm>>
      tpu.wait_indirect_dma semaphore(%arg16 : memref<!tpu.dma_semaphore, #tpu.memory_space<semaphore_mem>>) src(%dma_wait3A_144 : memref<20000x128xf32, #tpu.memory_space<hbm>>) dst(%arg9 : memref<80x128xf32, #tpu.memory_space<vmem>>)
      %dma_wait3A_145 = arith.constant 0 : i32
      %dma_wait3A_146 = arith.constant 0 : i32
      %dma_wait3A_147 = tpu.memref_slice %arg3[%dma_wait3A_145, %dma_wait3A_146] : memref<20000x128xf32, #tpu.memory_space<hbm>> -> memref<20000x128xf32, #tpu.memory_space<hbm>>
      tpu.wait_indirect_dma semaphore(%arg17 : memref<!tpu.dma_semaphore, #tpu.memory_space<semaphore_mem>>) src(%dma_wait3A_147 : memref<20000x128xf32, #tpu.memory_space<hbm>>) dst(%arg10 : memref<80x128xf32, #tpu.memory_space<vmem>>)
      %scan3A_148 = arith.constant 0 : i32
      %scan3A_149 = arith.constant 0 : i32
      %scan3A_150 = arith.constant 80 : i32
      %scan3A_151 = arith.addi %scan3A_149, %scan3A_150 : i32
      %scan3A_152 = arith.constant 1 : i32
      scf.for %scan3A_154 = %scan3A_149 to %scan3A_151 step %scan3A_152  : i32 {
        %get3A_155 = arith.index_cast %scan3A_154 : i32 to index
        %get3A_156 = arith.constant 0 : index
        %get3A_157 = tpu.vector_load %arg9[%get3A_155, %get3A_156] {strides = array<i32>} : memref<80x128xf32, #tpu.memory_space<vmem>>, vector<1x16xf32>,
        %get3A_158 = vector.shape_cast %get3A_157 : vector<1x16xf32> to vector<16xf32>
        %get3A_159 = arith.index_cast %scan3A_154 : i32 to index
        %get3A_160 = arith.constant 0 : index
        %get3A_161 = tpu.vector_load %arg10[%get3A_159, %get3A_160] {strides = array<i32>} : memref<80x128xf32, #tpu.memory_space<vmem>>, vector<1x16xf32>,
        %get3A_162 = vector.shape_cast %get3A_161 : vector<1x16xf32> to vector<16xf32>
        %add3A_163 = arith.addf %get3A_158, %get3A_162 : vector<16xf32>
        %get3A_164 = arith.index_cast %scan3A_154 : i32 to index
        %get3A_165 = arith.constant 0 : index
        %get3A_166 = tpu.vector_load %arg11[%get3A_164, %get3A_165] {strides = array<i32>} : memref<80x128xf32, #tpu.memory_space<vmem>>, vector<1x16xf32>,
        %get3A_167 = vector.shape_cast %get3A_166 : vector<1x16xf32> to vector<16xf32>
        %add3A_168 = arith.addf %add3A_163, %get3A_167 : vector<16xf32>
        %neg3A = arith.constant 0.000000e+00 : f32
        %neg3A_169 = vector.broadcast %neg3A : f32 to vector<16xf32>
        %neg3A_170 = arith.subf %neg3A_169, %add3A_168 : vector<16xf32>
        %exp3A = math.exp %neg3A_170 : vector<16xf32>
        %add3A_171 = arith.constant 1.000000e+00 : f32
        %add3A_172 = vector.broadcast %add3A_171 : f32 to vector<16xf32>
        %add3A_173 = arith.addf %add3A_172, %exp3A : vector<16xf32>
        %div3A = arith.divf %add3A_168, %add3A_173 : vector<16xf32>
        %swap3A_174 = arith.index_cast %scan3A_154 : i32 to index
        %swap3A_175 = arith.constant 0 : index
        %swap3A_176 = tpu.vector_load %arg9[%swap3A_174, %swap3A_175] {strides = array<i32>} : memref<80x128xf32, #tpu.memory_space<vmem>>, vector<1x16xf32>,
        %swap3A_177 = vector.shape_cast %swap3A_176 : vector<1x16xf32> to vector<16xf32>
        %swap3A_178 = vector.shape_cast %div3A : vector<16xf32> to vector<1x16xf32>
        tpu.vector_store %arg9[%swap3A_174, %swap3A_175], %swap3A_178 {strides = array<i32>} : memref<80x128xf32, #tpu.memory_space<vmem>>, vector<1x16xf32>,
        %get3A_179 = arith.index_cast %scan3A_154 : i32 to index
        %get3A_180 = arith.constant 16 : index
        %get3A_181 = tpu.vector_load %arg9[%get3A_179, %get3A_180] {strides = array<i32>} : memref<80x128xf32, #tpu.memory_space<vmem>>, vector<1x16xf32>,
        %get3A_182 = vector.shape_cast %get3A_181 : vector<1x16xf32> to vector<16xf32>
        %get3A_183 = arith.index_cast %scan3A_154 : i32 to index
        %get3A_184 = arith.constant 16 : index
        %get3A_185 = tpu.vector_load %arg10[%get3A_183, %get3A_184] {strides = array<i32>} : memref<80x128xf32, #tpu.memory_space<vmem>>, vector<1x16xf32>,
        %get3A_186 = vector.shape_cast %get3A_185 : vector<1x16xf32> to vector<16xf32>
        %add3A_187 = arith.addf %get3A_182, %get3A_186 : vector<16xf32>
        %get3A_188 = arith.index_cast %scan3A_154 : i32 to index
        %get3A_189 = arith.constant 16 : index
        %get3A_190 = tpu.vector_load %arg11[%get3A_188, %get3A_189] {strides = array<i32>} : memref<80x128xf32, #tpu.memory_space<vmem>>, vector<1x16xf32>,
        %get3A_191 = vector.shape_cast %get3A_190 : vector<1x16xf32> to vector<16xf32>
        %add3A_192 = arith.addf %add3A_187, %get3A_191 : vector<16xf32>
        %neg3A_193 = arith.constant 0.000000e+00 : f32
        %neg3A_194 = vector.broadcast %neg3A_193 : f32 to vector<16xf32>
        %neg3A_195 = arith.subf %neg3A_194, %add3A_192 : vector<16xf32>
        %exp3A_196 = math.exp %neg3A_195 : vector<16xf32>
        %add3A_197 = arith.constant 1.000000e+00 : f32
        %add3A_198 = vector.broadcast %add3A_197 : f32 to vector<16xf32>
        %add3A_199 = arith.addf %add3A_198, %exp3A_196 : vector<16xf32>
        %div3A_200 = arith.divf %add3A_192, %add3A_199 : vector<16xf32>
        %swap3A_201 = arith.index_cast %scan3A_154 : i32 to index
        %swap3A_202 = arith.constant 16 : index
        %swap3A_203 = tpu.vector_load %arg9[%swap3A_201, %swap3A_202] {strides = array<i32>} : memref<80x128xf32, #tpu.memory_space<vmem>>, vector<1x16xf32>,
        %swap3A_204 = vector.shape_cast %swap3A_203 : vector<1x16xf32> to vector<16xf32>
        %swap3A_205 = vector.shape_cast %div3A_200 : vector<16xf32> to vector<1x16xf32>
        tpu.vector_store %arg9[%swap3A_201, %swap3A_202], %swap3A_205 {strides = array<i32>} : memref<80x128xf32, #tpu.memory_space<vmem>>, vector<1x16xf32>,
        %get3A_206 = arith.index_cast %scan3A_154 : i32 to index
        %get3A_207 = arith.constant 32 : index
        %get3A_208 = tpu.vector_load %arg9[%get3A_206, %get3A_207] {strides = array<i32>} : memref<80x128xf32, #tpu.memory_space<vmem>>, vector<1x16xf32>,
        %get3A_209 = vector.shape_cast %get3A_208 : vector<1x16xf32> to vector<16xf32>
        %get3A_210 = arith.index_cast %scan3A_154 : i32 to index
        %get3A_211 = arith.constant 32 : index
        %get3A_212 = tpu.vector_load %arg10[%get3A_210, %get3A_211] {strides = array<i32>} : memref<80x128xf32, #tpu.memory_space<vmem>>, vector<1x16xf32>,
        %get3A_213 = vector.shape_cast %get3A_212 : vector<1x16xf32> to vector<16xf32>
        %add3A_214 = arith.addf %get3A_209, %get3A_213 : vector<16xf32>
        %get3A_215 = arith.index_cast %scan3A_154 : i32 to index
        %get3A_216 = arith.constant 32 : index
        %get3A_217 = tpu.vector_load %arg11[%get3A_215, %get3A_216] {strides = array<i32>} : memref<80x128xf32, #tpu.memory_space<vmem>>, vector<1x16xf32>,
        %get3A_218 = vector.shape_cast %get3A_217 : vector<1x16xf32> to vector<16xf32>
        %add3A_219 = arith.addf %add3A_214, %get3A_218 : vector<16xf32>
        %neg3A_220 = arith.constant 0.000000e+00 : f32
        %neg3A_221 = vector.broadcast %neg3A_220 : f32 to vector<16xf32>
        %neg3A_222 = arith.subf %neg3A_221, %add3A_219 : vector<16xf32>
        %exp3A_223 = math.exp %neg3A_222 : vector<16xf32>
        %add3A_224 = arith.constant 1.000000e+00 : f32
        %add3A_225 = vector.broadcast %add3A_224 : f32 to vector<16xf32>
        %add3A_226 = arith.addf %add3A_225, %exp3A_223 : vector<16xf32>
        %div3A_227 = arith.divf %add3A_219, %add3A_226 : vector<16xf32>
        %swap3A_228 = arith.index_cast %scan3A_154 : i32 to index
        %swap3A_229 = arith.constant 32 : index
        %swap3A_230 = tpu.vector_load %arg9[%swap3A_228, %swap3A_229] {strides = array<i32>} : memref<80x128xf32, #tpu.memory_space<vmem>>, vector<1x16xf32>,
        %swap3A_231 = vector.shape_cast %swap3A_230 : vector<1x16xf32> to vector<16xf32>
        %swap3A_232 = vector.shape_cast %div3A_227 : vector<16xf32> to vector<1x16xf32>
        tpu.vector_store %arg9[%swap3A_228, %swap3A_229], %swap3A_232 {strides = array<i32>} : memref<80x128xf32, #tpu.memory_space<vmem>>, vector<1x16xf32>,
        %get3A_233 = arith.index_cast %scan3A_154 : i32 to index
        %get3A_234 = arith.constant 48 : index
        %get3A_235 = tpu.vector_load %arg9[%get3A_233, %get3A_234] {strides = array<i32>} : memref<80x128xf32, #tpu.memory_space<vmem>>, vector<1x16xf32>,
        %get3A_236 = vector.shape_cast %get3A_235 : vector<1x16xf32> to vector<16xf32>
        %get3A_237 = arith.index_cast %scan3A_154 : i32 to index
        %get3A_238 = arith.constant 48 : index
        %get3A_239 = tpu.vector_load %arg10[%get3A_237, %get3A_238] {strides = array<i32>} : memref<80x128xf32, #tpu.memory_space<vmem>>, vector<1x16xf32>,
        %get3A_240 = vector.shape_cast %get3A_239 : vector<1x16xf32> to vector<16xf32>
        %add3A_241 = arith.addf %get3A_236, %get3A_240 : vector<16xf32>
        %get3A_242 = arith.index_cast %scan3A_154 : i32 to index
        %get3A_243 = arith.constant 48 : index
        %get3A_244 = tpu.vector_load %arg11[%get3A_242, %get3A_243] {strides = array<i32>} : memref<80x128xf32, #tpu.memory_space<vmem>>, vector<1x16xf32>,
        %get3A_245 = vector.shape_cast %get3A_244 : vector<1x16xf32> to vector<16xf32>
        %add3A_246 = arith.addf %add3A_241, %get3A_245 : vector<16xf32>
        %neg3A_247 = arith.constant 0.000000e+00 : f32
        %neg3A_248 = vector.broadcast %neg3A_247 : f32 to vector<16xf32>
        %neg3A_249 = arith.subf %neg3A_248, %add3A_246 : vector<16xf32>
        %exp3A_250 = math.exp %neg3A_249 : vector<16xf32>
        %add3A_251 = arith.constant 1.000000e+00 : f32
        %add3A_252 = vector.broadcast %add3A_251 : f32 to vector<16xf32>
        %add3A_253 = arith.addf %add3A_252, %exp3A_250 : vector<16xf32>
        %div3A_254 = arith.divf %add3A_246, %add3A_253 : vector<16xf32>
        %swap3A_255 = arith.index_cast %scan3A_154 : i32 to index
        %swap3A_256 = arith.constant 48 : index
        %swap3A_257 = tpu.vector_load %arg9[%swap3A_255, %swap3A_256] {strides = array<i32>} : memref<80x128xf32, #tpu.memory_space<vmem>>, vector<1x16xf32>,
        %swap3A_258 = vector.shape_cast %swap3A_257 : vector<1x16xf32> to vector<16xf32>
        %swap3A_259 = vector.shape_cast %div3A_254 : vector<16xf32> to vector<1x16xf32>
        tpu.vector_store %arg9[%swap3A_255, %swap3A_256], %swap3A_259 {strides = array<i32>} : memref<80x128xf32, #tpu.memory_space<vmem>>, vector<1x16xf32>,
        %get3A_260 = arith.index_cast %scan3A_154 : i32 to index
        %get3A_261 = arith.constant 64 : index
        %get3A_262 = tpu.vector_load %arg9[%get3A_260, %get3A_261] {strides = array<i32>} : memref<80x128xf32, #tpu.memory_space<vmem>>, vector<1x16xf32>,
        %get3A_263 = vector.shape_cast %get3A_262 : vector<1x16xf32> to vector<16xf32>
        %get3A_264 = arith.index_cast %scan3A_154 : i32 to index
        %get3A_265 = arith.constant 64 : index
        %get3A_266 = tpu.vector_load %arg10[%get3A_264, %get3A_265] {strides = array<i32>} : memref<80x128xf32, #tpu.memory_space<vmem>>, vector<1x16xf32>,
        %get3A_267 = vector.shape_cast %get3A_266 : vector<1x16xf32> to vector<16xf32>
        %add3A_268 = arith.addf %get3A_263, %get3A_267 : vector<16xf32>
        %get3A_269 = arith.index_cast %scan3A_154 : i32 to index
        %get3A_270 = arith.constant 64 : index
        %get3A_271 = tpu.vector_load %arg11[%get3A_269, %get3A_270] {strides = array<i32>} : memref<80x128xf32, #tpu.memory_space<vmem>>, vector<1x16xf32>,
        %get3A_272 = vector.shape_cast %get3A_271 : vector<1x16xf32> to vector<16xf32>
        %add3A_273 = arith.addf %add3A_268, %get3A_272 : vector<16xf32>
        %neg3A_274 = arith.constant 0.000000e+00 : f32
        %neg3A_275 = vector.broadcast %neg3A_274 : f32 to vector<16xf32>
        %neg3A_276 = arith.subf %neg3A_275, %add3A_273 : vector<16xf32>
        %exp3A_277 = math.exp %neg3A_276 : vector<16xf32>
        %add3A_278 = arith.constant 1.000000e+00 : f32
        %add3A_279 = vector.broadcast %add3A_278 : f32 to vector<16xf32>
        %add3A_280 = arith.addf %add3A_279, %exp3A_277 : vector<16xf32>
        %div3A_281 = arith.divf %add3A_273, %add3A_280 : vector<16xf32>
        %swap3A_282 = arith.index_cast %scan3A_154 : i32 to index
        %swap3A_283 = arith.constant 64 : index
        %swap3A_284 = tpu.vector_load %arg9[%swap3A_282, %swap3A_283] {strides = array<i32>} : memref<80x128xf32, #tpu.memory_space<vmem>>, vector<1x16xf32>,
        %swap3A_285 = vector.shape_cast %swap3A_284 : vector<1x16xf32> to vector<16xf32>
        %swap3A_286 = vector.shape_cast %div3A_281 : vector<16xf32> to vector<1x16xf32>
        tpu.vector_store %arg9[%swap3A_282, %swap3A_283], %swap3A_286 {strides = array<i32>} : memref<80x128xf32, #tpu.memory_space<vmem>>, vector<1x16xf32>,
        %get3A_287 = arith.index_cast %scan3A_154 : i32 to index
        %get3A_288 = arith.constant 80 : index
        %get3A_289 = tpu.vector_load %arg9[%get3A_287, %get3A_288] {strides = array<i32>} : memref<80x128xf32, #tpu.memory_space<vmem>>, vector<1x16xf32>,
        %get3A_290 = vector.shape_cast %get3A_289 : vector<1x16xf32> to vector<16xf32>
        %get3A_291 = arith.index_cast %scan3A_154 : i32 to index
        %get3A_292 = arith.constant 80 : index
        %get3A_293 = tpu.vector_load %arg10[%get3A_291, %get3A_292] {strides = array<i32>} : memref<80x128xf32, #tpu.memory_space<vmem>>, vector<1x16xf32>,
        %get3A_294 = vector.shape_cast %get3A_293 : vector<1x16xf32> to vector<16xf32>
        %add3A_295 = arith.addf %get3A_290, %get3A_294 : vector<16xf32>
        %get3A_296 = arith.index_cast %scan3A_154 : i32 to index
        %get3A_297 = arith.constant 80 : index
        %get3A_298 = tpu.vector_load %arg11[%get3A_296, %get3A_297] {strides = array<i32>} : memref<80x128xf32, #tpu.memory_space<vmem>>, vector<1x16xf32>,
        %get3A_299 = vector.shape_cast %get3A_298 : vector<1x16xf32> to vector<16xf32>
        %add3A_300 = arith.addf %add3A_295, %get3A_299 : vector<16xf32>
        %neg3A_301 = arith.constant 0.000000e+00 : f32
        %neg3A_302 = vector.broadcast %neg3A_301 : f32 to vector<16xf32>
        %neg3A_303 = arith.subf %neg3A_302, %add3A_300 : vector<16xf32>
        %exp3A_304 = math.exp %neg3A_303 : vector<16xf32>
        %add3A_305 = arith.constant 1.000000e+00 : f32
        %add3A_306 = vector.broadcast %add3A_305 : f32 to vector<16xf32>
        %add3A_307 = arith.addf %add3A_306, %exp3A_304 : vector<16xf32>
        %div3A_308 = arith.divf %add3A_300, %add3A_307 : vector<16xf32>
        %swap3A_309 = arith.index_cast %scan3A_154 : i32 to index
        %swap3A_310 = arith.constant 80 : index
        %swap3A_311 = tpu.vector_load %arg9[%swap3A_309, %swap3A_310] {strides = array<i32>} : memref<80x128xf32, #tpu.memory_space<vmem>>, vector<1x16xf32>,
        %swap3A_312 = vector.shape_cast %swap3A_311 : vector<1x16xf32> to vector<16xf32>
        %swap3A_313 = vector.shape_cast %div3A_308 : vector<16xf32> to vector<1x16xf32>
        tpu.vector_store %arg9[%swap3A_309, %swap3A_310], %swap3A_313 {strides = array<i32>} : memref<80x128xf32, #tpu.memory_space<vmem>>, vector<1x16xf32>,
        %get3A_314 = arith.index_cast %scan3A_154 : i32 to index
        %get3A_315 = arith.constant 96 : index
        %get3A_316 = tpu.vector_load %arg9[%get3A_314, %get3A_315] {strides = array<i32>} : memref<80x128xf32, #tpu.memory_space<vmem>>, vector<1x16xf32>,
        %get3A_317 = vector.shape_cast %get3A_316 : vector<1x16xf32> to vector<16xf32>
        %get3A_318 = arith.index_cast %scan3A_154 : i32 to index
        %get3A_319 = arith.constant 96 : index
        %get3A_320 = tpu.vector_load %arg10[%get3A_318, %get3A_319] {strides = array<i32>} : memref<80x128xf32, #tpu.memory_space<vmem>>, vector<1x16xf32>,
        %get3A_321 = vector.shape_cast %get3A_320 : vector<1x16xf32> to vector<16xf32>
        %add3A_322 = arith.addf %get3A_317, %get3A_321 : vector<16xf32>
        %get3A_323 = arith.index_cast %scan3A_154 : i32 to index
        %get3A_324 = arith.constant 96 : index
        %get3A_325 = tpu.vector_load %arg11[%get3A_323, %get3A_324] {strides = array<i32>} : memref<80x128xf32, #tpu.memory_space<vmem>>, vector<1x16xf32>,
        %get3A_326 = vector.shape_cast %get3A_325 : vector<1x16xf32> to vector<16xf32>
        %add3A_327 = arith.addf %add3A_322, %get3A_326 : vector<16xf32>
        %neg3A_328 = arith.constant 0.000000e+00 : f32
        %neg3A_329 = vector.broadcast %neg3A_328 : f32 to vector<16xf32>
        %neg3A_330 = arith.subf %neg3A_329, %add3A_327 : vector<16xf32>
        %exp3A_331 = math.exp %neg3A_330 : vector<16xf32>
        %add3A_332 = arith.constant 1.000000e+00 : f32
        %add3A_333 = vector.broadcast %add3A_332 : f32 to vector<16xf32>
        %add3A_334 = arith.addf %add3A_333, %exp3A_331 : vector<16xf32>
        %div3A_335 = arith.divf %add3A_327, %add3A_334 : vector<16xf32>
        %swap3A_336 = arith.index_cast %scan3A_154 : i32 to index
        %swap3A_337 = arith.constant 96 : index
        %swap3A_338 = tpu.vector_load %arg9[%swap3A_336, %swap3A_337] {strides = array<i32>} : memref<80x128xf32, #tpu.memory_space<vmem>>, vector<1x16xf32>,
        %swap3A_339 = vector.shape_cast %swap3A_338 : vector<1x16xf32> to vector<16xf32>
        %swap3A_340 = vector.shape_cast %div3A_335 : vector<16xf32> to vector<1x16xf32>
        tpu.vector_store %arg9[%swap3A_336, %swap3A_337], %swap3A_340 {strides = array<i32>} : memref<80x128xf32, #tpu.memory_space<vmem>>, vector<1x16xf32>,
        %get3A_341 = arith.index_cast %scan3A_154 : i32 to index
        %get3A_342 = arith.constant 112 : index
        %get3A_343 = tpu.vector_load %arg9[%get3A_341, %get3A_342] {strides = array<i32>} : memref<80x128xf32, #tpu.memory_space<vmem>>, vector<1x16xf32>,
        %get3A_344 = vector.shape_cast %get3A_343 : vector<1x16xf32> to vector<16xf32>
        %get3A_345 = arith.index_cast %scan3A_154 : i32 to index
        %get3A_346 = arith.constant 112 : index
        %get3A_347 = tpu.vector_load %arg10[%get3A_345, %get3A_346] {strides = array<i32>} : memref<80x128xf32, #tpu.memory_space<vmem>>, vector<1x16xf32>,
        %get3A_348 = vector.shape_cast %get3A_347 : vector<1x16xf32> to vector<16xf32>
        %add3A_349 = arith.addf %get3A_344, %get3A_348 : vector<16xf32>
        %get3A_350 = arith.index_cast %scan3A_154 : i32 to index
        %get3A_351 = arith.constant 112 : index
        %get3A_352 = tpu.vector_load %arg11[%get3A_350, %get3A_351] {strides = array<i32>} : memref<80x128xf32, #tpu.memory_space<vmem>>, vector<1x16xf32>,
        %get3A_353 = vector.shape_cast %get3A_352 : vector<1x16xf32> to vector<16xf32>
        %add3A_354 = arith.addf %add3A_349, %get3A_353 : vector<16xf32>
        %neg3A_355 = arith.constant 0.000000e+00 : f32
        %neg3A_356 = vector.broadcast %neg3A_355 : f32 to vector<16xf32>
        %neg3A_357 = arith.subf %neg3A_356, %add3A_354 : vector<16xf32>
        %exp3A_358 = math.exp %neg3A_357 : vector<16xf32>
        %add3A_359 = arith.constant 1.000000e+00 : f32
        %add3A_360 = vector.broadcast %add3A_359 : f32 to vector<16xf32>
        %add3A_361 = arith.addf %add3A_360, %exp3A_358 : vector<16xf32>
        %div3A_362 = arith.divf %add3A_354, %add3A_361 : vector<16xf32>
        %swap3A_363 = arith.index_cast %scan3A_154 : i32 to index
        %swap3A_364 = arith.constant 112 : index
        %swap3A_365 = tpu.vector_load %arg9[%swap3A_363, %swap3A_364] {strides = array<i32>} : memref<80x128xf32, #tpu.memory_space<vmem>>, vector<1x16xf32>,
        %swap3A_366 = vector.shape_cast %swap3A_365 : vector<1x16xf32> to vector<16xf32>
        %swap3A_367 = vector.shape_cast %div3A_362 : vector<16xf32> to vector<1x16xf32>
        tpu.vector_store %arg9[%swap3A_363, %swap3A_364], %swap3A_367 {strides = array<i32>} : memref<80x128xf32, #tpu.memory_space<vmem>>, vector<1x16xf32>,
      }
      %scan3A_153 = arith.constant 80 : i32
      "tpu.region"() ({
        %run_scoped3A = tpu.sem_alloc : memref<!tpu.dma_semaphore, #tpu.memory_space<semaphore_mem>>
        %dma_start3A_154 = arith.constant 0 : i32
        %dma_start3A_155 = arith.constant 0 : i32
        %dma_start3A_156 = tpu.memref_slice %arg8[%dma_start3A_154, %dma_start3A_155] : memref<10000x128xf32, #tpu.memory_space<vmem_shared>> -> memref<10000x128xf32, #tpu.memory_space<vmem_shared>>
        tpu.enqueue_indirect_dma source(%arg9 : memref<80x128xf32, #tpu.memory_space<vmem>>) target(%dma_start3A_156 : memref<10000x128xf32, #tpu.memory_space<vmem_shared>>) offsets(%arg13 : memref<80xi32, #tpu.memory_space<vmem>>) semaphore(%run_scoped3A : memref<!tpu.dma_semaphore, #tpu.memory_space<semaphore_mem>>) {add = true}
        %dma_wait3A_157 = arith.constant 0 : i32
        %dma_wait3A_158 = arith.constant 0 : i32
        %dma_wait3A_159 = tpu.memref_slice %arg8[%dma_wait3A_157, %dma_wait3A_158] : memref<10000x128xf32, #tpu.memory_space<vmem_shared>> -> memref<10000x128xf32, #tpu.memory_space<vmem_shared>>
        tpu.wait_indirect_dma semaphore(%run_scoped3A : memref<!tpu.dma_semaphore, #tpu.memory_space<semaphore_mem>>) src(%arg9 : memref<80x128xf32, #tpu.memory_space<vmem>>) dst(%dma_wait3A_159 : memref<10000x128xf32, #tpu.memory_space<vmem_shared>>)
        tpu.yield
      }) : () -> ()
    }
    %scan3A_25 = arith.constant 125 : i32
    %barrier3A_26 = arith.constant 0 : index
    tpu.barrier barrier_id(%barrier3A_26)
    %mul3A_27 = arith.constant 624 : i32
    %mul3A_28 = arith.muli %arg1, %mul3A_27 : i32
    %scan3A_29 = arith.constant 0 : i32
    %scan3A_30 = arith.constant 0 : i32
    %scan3A_31 = arith.constant 7 : i32
    %scan3A_32 = arith.addi %scan3A_30, %scan3A_31 : i32
    %scan3A_33 = arith.constant 1 : i32
    scf.for %scan3A_43 = %scan3A_30 to %scan3A_32 step %scan3A_33  : i32 {
      %mul3A_44 = arith.constant 80 : i32
      %mul3A_45 = arith.muli %scan3A_43, %mul3A_44 : i32
      %add3A_46 = arith.addi %mul3A_28, %mul3A_45 : i32
      "tpu.region"() ({
        %run_scoped3A = tpu.sem_alloc : memref<!tpu.dma_semaphore, #tpu.memory_space<semaphore_mem>>
        %dma_start3A = arith.constant 0 : i32
        %dma_start3A_51 = tpu.memref_slice %arg8[%add3A_46, %dma_start3A] : memref<10000x128xf32, #tpu.memory_space<vmem_shared>> -> memref<80x128xf32, #tpu.memory_space<vmem_shared>>
        %dma_start3A_52 = arith.constant 0 : i32
        %dma_start3A_53 = tpu.memref_slice %arg8[%add3A_46, %dma_start3A_52] : memref<10000x128xf32, #tpu.memory_space<vmem_shared>> -> memref<80x128xf32, #tpu.memory_space<vmem_shared>>
        tpu.enqueue_dma source(%dma_start3A_53 : memref<80x128xf32, #tpu.memory_space<vmem_shared>>) target(%arg9 : memref<80x128xf32, #tpu.memory_space<vmem>>) target_semaphore(%run_scoped3A : memref<!tpu.dma_semaphore, #tpu.memory_space<semaphore_mem>>)
        %dma_wait3A = arith.constant 0 : i32
        %dma_wait3A_54 = tpu.memref_slice %arg8[%add3A_46, %dma_wait3A] : memref<10000x128xf32, #tpu.memory_space<vmem_shared>> -> memref<80x128xf32, #tpu.memory_space<vmem_shared>>
        %dma_wait3A_55 = arith.constant 0 : i32
        %dma_wait3A_56 = tpu.memref_slice %arg8[%add3A_46, %dma_wait3A_55] : memref<10000x128xf32, #tpu.memory_space<vmem_shared>> -> memref<80x128xf32, #tpu.memory_space<vmem_shared>>
        tpu.wait_dma2 semaphore(%run_scoped3A : memref<!tpu.dma_semaphore, #tpu.memory_space<semaphore_mem>>) src(%dma_wait3A_56 : memref<80x128xf32, #tpu.memory_space<vmem_shared>>) dst(%arg9 : memref<80x128xf32, #tpu.memory_space<vmem>>)
        tpu.yield
      }) : () -> ()
      %add3A_47 = arith.addi %mul3A_19, %mul3A_28 : i32
      %mul3A_48 = arith.constant 80 : i32
      %mul3A_49 = arith.muli %scan3A_43, %mul3A_48 : i32
      %add3A_50 = arith.addi %add3A_47, %mul3A_49 : i32
      "tpu.region"() ({
        %run_scoped3A = tpu.sem_alloc : memref<!tpu.dma_semaphore, #tpu.memory_space<semaphore_mem>>
        %dma_start3A = arith.constant 0 : i32
        %dma_start3A_51 = tpu.memref_slice %arg7[%add3A_50, %dma_start3A] : memref<20000x128xf32, #tpu.memory_space<hbm>> -> memref<80x128xf32, #tpu.memory_space<hbm>>
        %dma_start3A_52 = arith.constant 0 : i32
        %dma_start3A_53 = tpu.memref_slice %arg7[%add3A_50, %dma_start3A_52] : memref<20000x128xf32, #tpu.memory_space<hbm>> -> memref<80x128xf32, #tpu.memory_space<hbm>>
        tpu.enqueue_dma source(%arg9 : memref<80x128xf32, #tpu.memory_space<vmem>>) target(%dma_start3A_53 : memref<80x128xf32, #tpu.memory_space<hbm>>) target_semaphore(%run_scoped3A : memref<!tpu.dma_semaphore, #tpu.memory_space<semaphore_mem>>)
        %dma_wait3A = arith.constant 0 : i32
        %dma_wait3A_54 = tpu.memref_slice %arg7[%add3A_50, %dma_wait3A] : memref<20000x128xf32, #tpu.memory_space<hbm>> -> memref<80x128xf32, #tpu.memory_space<hbm>>
        %dma_wait3A_55 = arith.constant 0 : i32
        %dma_wait3A_56 = tpu.memref_slice %arg7[%add3A_50, %dma_wait3A_55] : memref<20000x128xf32, #tpu.memory_space<hbm>> -> memref<80x128xf32, #tpu.memory_space<hbm>>
        tpu.wait_dma2 semaphore(%run_scoped3A : memref<!tpu.dma_semaphore, #tpu.memory_space<semaphore_mem>>) src(%arg9 : memref<80x128xf32, #tpu.memory_space<vmem>>) dst(%dma_wait3A_56 : memref<80x128xf32, #tpu.memory_space<hbm>>)
        tpu.yield
      }) : () -> ()
    }
    %scan3A_34 = arith.constant 7 : i32
    %add3A_35 = arith.constant 560 : i32
    %add3A_36 = arith.addi %mul3A_28, %add3A_35 : i32
    "tpu.region"() ({
      %run_scoped3A = tpu.sem_alloc : memref<!tpu.dma_semaphore, #tpu.memory_space<semaphore_mem>>
      %dma_start3A = arith.constant 0 : i32
      %dma_start3A_43 = arith.constant 0 : i32
      %dma_start3A_44 = tpu.memref_slice %arg9[%dma_start3A, %dma_start3A_43] : memref<80x128xf32, #tpu.memory_space<vmem>> -> memref<64x128xf32, #tpu.memory_space<vmem>>
      %dma_start3A_45 = arith.constant 0 : i32
      %dma_start3A_46 = tpu.memref_slice %arg8[%add3A_36, %dma_start3A_45] : memref<10000x128xf32, #tpu.memory_space<vmem_shared>> -> memref<64x128xf32, #tpu.memory_space<vmem_shared>>
      %dma_start3A_47 = arith.constant 0 : i32
      %dma_start3A_48 = arith.constant 0 : i32
      %dma_start3A_49 = tpu.memref_slice %arg9[%dma_start3A_47, %dma_start3A_48] : memref<80x128xf32, #tpu.memory_space<vmem>> -> memref<64x128xf32, #tpu.memory_space<vmem>>
      %dma_start3A_50 = arith.constant 0 : i32
      %dma_start3A_51 = tpu.memref_slice %arg8[%add3A_36, %dma_start3A_50] : memref<10000x128xf32, #tpu.memory_space<vmem_shared>> -> memref<64x128xf32, #tpu.memory_space<vmem_shared>>
      tpu.enqueue_dma source(%dma_start3A_51 : memref<64x128xf32, #tpu.memory_space<vmem_shared>>) target(%dma_start3A_49 : memref<64x128xf32, #tpu.memory_space<vmem>>) target_semaphore(%run_scoped3A : memref<!tpu.dma_semaphore, #tpu.memory_space<semaphore_mem>>)
      %dma_wait3A = arith.constant 0 : i32
      %dma_wait3A_52 = arith.constant 0 : i32
      %dma_wait3A_53 = tpu.memref_slice %arg9[%dma_wait3A, %dma_wait3A_52] : memref<80x128xf32, #tpu.memory_space<vmem>> -> memref<64x128xf32, #tpu.memory_space<vmem>>
      %dma_wait3A_54 = arith.constant 0 : i32
      %dma_wait3A_55 = tpu.memref_slice %arg8[%add3A_36, %dma_wait3A_54] : memref<10000x128xf32, #tpu.memory_space<vmem_shared>> -> memref<64x128xf32, #tpu.memory_space<vmem_shared>>
      %dma_wait3A_56 = arith.constant 0 : i32
      %dma_wait3A_57 = arith.constant 0 : i32
      %dma_wait3A_58 = tpu.memref_slice %arg9[%dma_wait3A_56, %dma_wait3A_57] : memref<80x128xf32, #tpu.memory_space<vmem>> -> memref<64x128xf32, #tpu.memory_space<vmem>>
      %dma_wait3A_59 = arith.constant 0 : i32
      %dma_wait3A_60 = tpu.memref_slice %arg8[%add3A_36, %dma_wait3A_59] : memref<10000x128xf32, #tpu.memory_space<vmem_shared>> -> memref<64x128xf32, #tpu.memory_space<vmem_shared>>
      tpu.wait_dma2 semaphore(%run_scoped3A : memref<!tpu.dma_semaphore, #tpu.memory_space<semaphore_mem>>) src(%dma_wait3A_60 : memref<64x128xf32, #tpu.memory_space<vmem_shared>>) dst(%dma_wait3A_58 : memref<64x128xf32, #tpu.memory_space<vmem>>)
      tpu.yield
    }) : () -> ()
    %add3A_37 = arith.addi %mul3A_19, %add3A_36 : i32
    "tpu.region"() ({
      %run_scoped3A = tpu.sem_alloc : memref<!tpu.dma_semaphore, #tpu.memory_space<semaphore_mem>>
      %dma_start3A = arith.constant 0 : i32
      %dma_start3A_43 = arith.constant 0 : i32
      %dma_start3A_44 = tpu.memref_slice %arg9[%dma_start3A, %dma_start3A_43] : memref<80x128xf32, #tpu.memory_space<vmem>> -> memref<64x128xf32, #tpu.memory_space<vmem>>
      %dma_start3A_45 = arith.constant 0 : i32
      %dma_start3A_46 = tpu.memref_slice %arg7[%add3A_37, %dma_start3A_45] : memref<20000x128xf32, #tpu.memory_space<hbm>> -> memref<64x128xf32, #tpu.memory_space<hbm>>
      %dma_start3A_47 = arith.constant 0 : i32
      %dma_start3A_48 = tpu.memref_slice %arg7[%add3A_37, %dma_start3A_47] : memref<20000x128xf32, #tpu.memory_space<hbm>> -> memref<64x128xf32, #tpu.memory_space<hbm>>
      %dma_start3A_49 = arith.constant 0 : i32
      %dma_start3A_50 = arith.constant 0 : i32
      %dma_start3A_51 = tpu.memref_slice %arg9[%dma_start3A_49, %dma_start3A_50] : memref<80x128xf32, #tpu.memory_space<vmem>> -> memref<64x128xf32, #tpu.memory_space<vmem>>
      tpu.enqueue_dma source(%dma_start3A_51 : memref<64x128xf32, #tpu.memory_space<vmem>>) target(%dma_start3A_48 : memref<64x128xf32, #tpu.memory_space<hbm>>) target_semaphore(%run_scoped3A : memref<!tpu.dma_semaphore, #tpu.memory_space<semaphore_mem>>)
      %dma_wait3A = arith.constant 0 : i32
      %dma_wait3A_52 = arith.constant 0 : i32
      %dma_wait3A_53 = tpu.memref_slice %arg9[%dma_wait3A, %dma_wait3A_52] : memref<80x128xf32, #tpu.memory_space<vmem>> -> memref<64x128xf32, #tpu.memory_space<vmem>>
      %dma_wait3A_54 = arith.constant 0 : i32
      %dma_wait3A_55 = tpu.memref_slice %arg7[%add3A_37, %dma_wait3A_54] : memref<20000x128xf32, #tpu.memory_space<hbm>> -> memref<64x128xf32, #tpu.memory_space<hbm>>
      %dma_wait3A_56 = arith.constant 0 : i32
      %dma_wait3A_57 = tpu.memref_slice %arg7[%add3A_37, %dma_wait3A_56] : memref<20000x128xf32, #tpu.memory_space<hbm>> -> memref<64x128xf32, #tpu.memory_space<hbm>>
      %dma_wait3A_58 = arith.constant 0 : i32
      %dma_wait3A_59 = arith.constant 0 : i32
      %dma_wait3A_60 = tpu.memref_slice %arg9[%dma_wait3A_58, %dma_wait3A_59] : memref<80x128xf32, #tpu.memory_space<vmem>> -> memref<64x128xf32, #tpu.memory_space<vmem>>
      tpu.wait_dma2 semaphore(%run_scoped3A : memref<!tpu.dma_semaphore, #tpu.memory_space<semaphore_mem>>) src(%dma_wait3A_60 : memref<64x128xf32, #tpu.memory_space<vmem>>) dst(%dma_wait3A_57 : memref<64x128xf32, #tpu.memory_space<hbm>>)
      tpu.yield
    }) : () -> ()
    %eq3A_38 = arith.constant 15 : i32
    %eq3A_39 = arith.cmpi eq, %arg1, %eq3A_38 : i32
    %convert_element_type3A_40 = arith.extui %eq3A_39 : i1 to i32
    %cond3A_41 = arith.constant 0 : i32
    %cond3A_42 = arith.cmpi ne, %convert_element_type3A_40, %cond3A_41 : i32
    scf.if %cond3A_42 {
      "tpu.region"() ({
        %run_scoped3A = tpu.sem_alloc : memref<!tpu.dma_semaphore, #tpu.memory_space<semaphore_mem>>
        %dma_start3A = arith.constant 0 : i32
        %dma_start3A_45 = arith.constant 0 : i32
        %dma_start3A_46 = tpu.memref_slice %arg9[%dma_start3A, %dma_start3A_45] : memref<80x128xf32, #tpu.memory_space<vmem>> -> memref<16x128xf32, #tpu.memory_space<vmem>>
        %dma_start3A_47 = arith.constant 9984 : i32
        %dma_start3A_48 = arith.constant 0 : i32
        %dma_start3A_49 = tpu.memref_slice %arg8[%dma_start3A_47, %dma_start3A_48] : memref<10000x128xf32, #tpu.memory_space<vmem_shared>> -> memref<16x128xf32, #tpu.memory_space<vmem_shared>>
        %dma_start3A_50 = arith.constant 0 : i32
        %dma_start3A_51 = arith.constant 0 : i32
        %dma_start3A_52 = tpu.memref_slice %arg9[%dma_start3A_50, %dma_start3A_51] : memref<80x128xf32, #tpu.memory_space<vmem>> -> memref<16x128xf32, #tpu.memory_space<vmem>>
        %dma_start3A_53 = arith.constant 9984 : i32
        %dma_start3A_54 = arith.constant 0 : i32
        %dma_start3A_55 = tpu.memref_slice %arg8[%dma_start3A_53, %dma_start3A_54] : memref<10000x128xf32, #tpu.memory_space<vmem_shared>> -> memref<16x128xf32, #tpu.memory_space<vmem_shared>>
        tpu.enqueue_dma source(%dma_start3A_55 : memref<16x128xf32, #tpu.memory_space<vmem_shared>>) target(%dma_start3A_52 : memref<16x128xf32, #tpu.memory_space<vmem>>) target_semaphore(%run_scoped3A : memref<!tpu.dma_semaphore, #tpu.memory_space<semaphore_mem>>)
        %dma_wait3A = arith.constant 0 : i32
        %dma_wait3A_56 = arith.constant 0 : i32
        %dma_wait3A_57 = tpu.memref_slice %arg9[%dma_wait3A, %dma_wait3A_56] : memref<80x128xf32, #tpu.memory_space<vmem>> -> memref<16x128xf32, #tpu.memory_space<vmem>>
        %dma_wait3A_58 = arith.constant 9984 : i32
        %dma_wait3A_59 = arith.constant 0 : i32
        %dma_wait3A_60 = tpu.memref_slice %arg8[%dma_wait3A_58, %dma_wait3A_59] : memref<10000x128xf32, #tpu.memory_space<vmem_shared>> -> memref<16x128xf32, #tpu.memory_space<vmem_shared>>
        %dma_wait3A_61 = arith.constant 0 : i32
        %dma_wait3A_62 = arith.constant 0 : i32
        %dma_wait3A_63 = tpu.memref_slice %arg9[%dma_wait3A_61, %dma_wait3A_62] : memref<80x128xf32, #tpu.memory_space<vmem>> -> memref<16x128xf32, #tpu.memory_space<vmem>>
        %dma_wait3A_64 = arith.constant 9984 : i32
        %dma_wait3A_65 = arith.constant 0 : i32
        %dma_wait3A_66 = tpu.memref_slice %arg8[%dma_wait3A_64, %dma_wait3A_65] : memref<10000x128xf32, #tpu.memory_space<vmem_shared>> -> memref<16x128xf32, #tpu.memory_space<vmem_shared>>
        tpu.wait_dma2 semaphore(%run_scoped3A : memref<!tpu.dma_semaphore, #tpu.memory_space<semaphore_mem>>) src(%dma_wait3A_66 : memref<16x128xf32, #tpu.memory_space<vmem_shared>>) dst(%dma_wait3A_63 : memref<16x128xf32, #tpu.memory_space<vmem>>)
        tpu.yield
      }) : () -> ()
      %add3A_43 = arith.constant 9984 : i32
      %add3A_44 = arith.addi %mul3A_19, %add3A_43 : i32
      "tpu.region"() ({
        %run_scoped3A = tpu.sem_alloc : memref<!tpu.dma_semaphore, #tpu.memory_space<semaphore_mem>>
        %dma_start3A = arith.constant 0 : i32
        %dma_start3A_45 = arith.constant 0 : i32
        %dma_start3A_46 = tpu.memref_slice %arg9[%dma_start3A, %dma_start3A_45] : memref<80x128xf32, #tpu.memory_space<vmem>> -> memref<16x128xf32, #tpu.memory_space<vmem>>
        %dma_start3A_47 = arith.constant 0 : i32
        %dma_start3A_48 = tpu.memref_slice %arg7[%add3A_44, %dma_start3A_47] : memref<20000x128xf32, #tpu.memory_space<hbm>> -> memref<16x128xf32, #tpu.memory_space<hbm>>
        %dma_start3A_49 = arith.constant 0 : i32
        %dma_start3A_50 = tpu.memref_slice %arg7[%add3A_44, %dma_start3A_49] : memref<20000x128xf32, #tpu.memory_space<hbm>> -> memref<16x128xf32, #tpu.memory_space<hbm>>
        %dma_start3A_51 = arith.constant 0 : i32
        %dma_start3A_52 = arith.constant 0 : i32
        %dma_start3A_53 = tpu.memref_slice %arg9[%dma_start3A_51, %dma_start3A_52] : memref<80x128xf32, #tpu.memory_space<vmem>> -> memref<16x128xf32, #tpu.memory_space<vmem>>
        tpu.enqueue_dma source(%dma_start3A_53 : memref<16x128xf32, #tpu.memory_space<vmem>>) target(%dma_start3A_50 : memref<16x128xf32, #tpu.memory_space<hbm>>) target_semaphore(%run_scoped3A : memref<!tpu.dma_semaphore, #tpu.memory_space<semaphore_mem>>)
        %dma_wait3A = arith.constant 0 : i32
        %dma_wait3A_54 = arith.constant 0 : i32
        %dma_wait3A_55 = tpu.memref_slice %arg9[%dma_wait3A, %dma_wait3A_54] : memref<80x128xf32, #tpu.memory_space<vmem>> -> memref<16x128xf32, #tpu.memory_space<vmem>>
        %dma_wait3A_56 = arith.constant 0 : i32
        %dma_wait3A_57 = tpu.memref_slice %arg7[%add3A_44, %dma_wait3A_56] : memref<20000x128xf32, #tpu.memory_space<hbm>> -> memref<16x128xf32, #tpu.memory_space<hbm>>
        %dma_wait3A_58 = arith.constant 0 : i32
        %dma_wait3A_59 = tpu.memref_slice %arg7[%add3A_44, %dma_wait3A_58] : memref<20000x128xf32, #tpu.memory_space<hbm>> -> memref<16x128xf32, #tpu.memory_space<hbm>>
        %dma_wait3A_60 = arith.constant 0 : i32
        %dma_wait3A_61 = arith.constant 0 : i32
        %dma_wait3A_62 = tpu.memref_slice %arg9[%dma_wait3A_60, %dma_wait3A_61] : memref<80x128xf32, #tpu.memory_space<vmem>> -> memref<16x128xf32, #tpu.memory_space<vmem>>
        tpu.wait_dma2 semaphore(%run_scoped3A : memref<!tpu.dma_semaphore, #tpu.memory_space<semaphore_mem>>) src(%dma_wait3A_62 : memref<16x128xf32, #tpu.memory_space<vmem>>) dst(%dma_wait3A_59 : memref<16x128xf32, #tpu.memory_space<hbm>>)
        tpu.yield
      }) : () -> ()
    } else {
    }
    return
  }
}

module attributes {stable_mosaic.version = 14 : i64} {
  func.func @_r_body(%arg0: i32, %arg1: i32, %arg2: memref<2000x16xf32, #tpu.memory_space<vmem>>, %arg3: memref<16x128xf32, #tpu.memory_space<vmem>>, %arg4: memref<2000x128xf32, #tpu.memory_space<vmem>>) attributes {dimension_semantics = [#tpu.dimension_semantics<arbitrary>, #tpu.dimension_semantics<arbitrary>], iteration_bounds = array<i64: 80, 2>, scalar_prefetch = 0 : i64, scratch_operands = 0 : i64, tpu.core_type = #tpu.core_type<tc>, window_params = [{transform_indices = @transform_0, window_bounds = array<i64: 2000, 16>}, {transform_indices = @transform_1, window_bounds = array<i64: 16, 128>}, {transform_indices = @transform_2, window_bounds = array<i64: 2000, 128>}]} {
    %get3A = arith.constant 0 : index
    %get3A_0 = arith.constant 0 : index
    %get3A_1 = vector.load %arg2[%get3A, %get3A_0] : memref<2000x16xf32, #tpu.memory_space<vmem>>, vector<2000x16xf32>
    %get3A_2 = arith.constant 0 : index
    %get3A_3 = arith.constant 0 : index
    %get3A_4 = vector.load %arg3[%get3A_2, %get3A_3] : memref<16x128xf32, #tpu.memory_space<vmem>>, vector<16x128xf32>
    %dot_general3A = arith.constant dense<0.000000e+00> : vector<2000x128xf32>
    %dot_general3A_5 = tpu.matmul %get3A_1, %get3A_4, %dot_general3A {dimension_numbers = #tpu.dot_dimension_numbers<[1], [0], [0], [1], [0, 0, 1, 1], [], []>, transpose_lhs_hint = false} : vector<2000x16xf32>, vector<16x128xf32>, vector<2000x128xf32> -> vector<2000x128xf32>
    %swap3A = arith.constant 0 : index
    %swap3A_6 = arith.constant 0 : index
    %swap3A_7 = vector.load %arg4[%swap3A, %swap3A_6] : memref<2000x128xf32, #tpu.memory_space<vmem>>, vector<2000x128xf32>
    tpu.vector_store %arg4[%swap3A, %swap3A_6], %dot_general3A_5 {strides = array<i32>} : memref<2000x128xf32, #tpu.memory_space<vmem>>, vector<2000x128xf32>,
    return
  }
  func.func @transform_0(%arg0: i32, %arg1: i32) -> (i32, i32) {
    %c0_i32 = arith.constant 0 : i32
    %c0_i32_0 = arith.constant 0 : i32
    return %arg0, %c0_i32 : i32, i32
  }
  func.func @transform_1(%arg0: i32, %arg1: i32) -> (i32, i32) {
    %c0_i32 = arith.constant 0 : i32
    %c0_i32_0 = arith.constant 0 : i32
    return %c0_i32, %arg1 : i32, i32
  }
  func.func @transform_2(%arg0: i32, %arg1: i32) -> (i32, i32) {
    %mul3A = arith.constant 80 : i32
    %mul3A_0 = arith.muli %arg1, %mul3A : i32
    %add3A = arith.addi %mul3A_0, %arg0 : i32
    %c0_i32 = arith.constant 0 : i32
    %c0_i32_1 = arith.constant 0 : i32
    return %add3A, %c0_i32 : i32, i32
  }
}

module attributes {stable_mosaic.version = 14 : i64} {
  func.func @_pq_body(%arg0: i32, %arg1: i32, %arg2: memref<400x256xf32, #tpu.memory_space<vmem>>, %arg3: memref<256x128xf32, #tpu.memory_space<vmem>>, %arg4: memref<256x128xf32, #tpu.memory_space<vmem>>, %arg5: memref<1x1x128xf32, #tpu.memory_space<vmem>>, %arg6: memref<400x128xf32, #tpu.memory_space<vmem>>, %arg7: memref<400x128xf32, #tpu.memory_space<vmem>>) attributes {dimension_semantics = [#tpu.dimension_semantics<arbitrary>, #tpu.dimension_semantics<arbitrary>], iteration_bounds = array<i64: 25, 2>, scalar_prefetch = 0 : i64, scratch_operands = 0 : i64, tpu.core_type = #tpu.core_type<tc>, window_params = [{transform_indices = @transform_0, window_bounds = array<i64: 400, 256>}, {transform_indices = @transform_1, window_bounds = array<i64: 256, 128>}, {transform_indices = @transform_2, window_bounds = array<i64: 256, 128>}, {transform_indices = @transform_3, window_bounds = array<i64: 1, 1, 128>}, {transform_indices = @transform_4, window_bounds = array<i64: 400, 128>}, {transform_indices = @transform_5, window_bounds = array<i64: 400, 128>}]} {
    %get3A = arith.constant 0 : index
    %get3A_0 = arith.constant 0 : index
    %get3A_1 = vector.load %arg2[%get3A, %get3A_0] : memref<400x256xf32, #tpu.memory_space<vmem>>, vector<400x256xf32>
    %get3A_2 = arith.constant 0 : index
    %get3A_3 = arith.constant 0 : index
    %get3A_4 = vector.load %arg3[%get3A_2, %get3A_3] : memref<256x128xf32, #tpu.memory_space<vmem>>, vector<256x128xf32>
    %dot_general3A = arith.constant dense<0.000000e+00> : vector<400x128xf32>
    %dot_general3A_5 = tpu.matmul %get3A_1, %get3A_4, %dot_general3A {dimension_numbers = #tpu.dot_dimension_numbers<[1], [0], [0], [1], [0, 0, 1, 1], [], []>, transpose_lhs_hint = false} : vector<400x256xf32>, vector<256x128xf32>, vector<400x128xf32> -> vector<400x128xf32>
    %swap3A = arith.constant 0 : index
    %swap3A_6 = arith.constant 0 : index
    %swap3A_7 = vector.load %arg6[%swap3A, %swap3A_6] : memref<400x128xf32, #tpu.memory_space<vmem>>, vector<400x128xf32>
    tpu.vector_store %arg6[%swap3A, %swap3A_6], %dot_general3A_5 {strides = array<i32>} : memref<400x128xf32, #tpu.memory_space<vmem>>, vector<400x128xf32>,
    %get3A_8 = arith.constant 0 : index
    %get3A_9 = arith.constant 0 : index
    %get3A_10 = vector.load %arg4[%get3A_8, %get3A_9] : memref<256x128xf32, #tpu.memory_space<vmem>>, vector<256x128xf32>
    %dot_general3A_11 = arith.constant dense<0.000000e+00> : vector<400x128xf32>
    %dot_general3A_12 = tpu.matmul %get3A_1, %get3A_10, %dot_general3A_11 {dimension_numbers = #tpu.dot_dimension_numbers<[1], [0], [0], [1], [0, 0, 1, 1], [], []>, transpose_lhs_hint = false} : vector<400x256xf32>, vector<256x128xf32>, vector<400x128xf32> -> vector<400x128xf32>
    %get3A_13 = arith.constant 0 : index
    %get3A_14 = arith.constant 0 : index
    %get3A_15 = arith.constant 0 : index
    %get3A_16 = vector.load %arg5[%get3A_13, %get3A_14, %get3A_15] : memref<1x1x128xf32, #tpu.memory_space<vmem>>, vector<1x1x128xf32>
    %get3A_17 = vector.shape_cast %get3A_16 : vector<1x1x128xf32> to vector<1x128xf32>
    %add3A = vector.broadcast %get3A_17 : vector<1x128xf32> to vector<400x128xf32>
    %add3A_18 = arith.addf %dot_general3A_12, %add3A : vector<400x128xf32>
    %swap3A_19 = arith.constant 0 : index
    %swap3A_20 = arith.constant 0 : index
    %swap3A_21 = vector.load %arg7[%swap3A_19, %swap3A_20] : memref<400x128xf32, #tpu.memory_space<vmem>>, vector<400x128xf32>
    tpu.vector_store %arg7[%swap3A_19, %swap3A_20], %add3A_18 {strides = array<i32>} : memref<400x128xf32, #tpu.memory_space<vmem>>, vector<400x128xf32>,
    return
  }
  func.func @transform_0(%arg0: i32, %arg1: i32) -> (i32, i32) {
    %c0_i32 = arith.constant 0 : i32
    %c0_i32_0 = arith.constant 0 : i32
    return %arg0, %c0_i32 : i32, i32
  }
  func.func @transform_1(%arg0: i32, %arg1: i32) -> (i32, i32) {
    %c0_i32 = arith.constant 0 : i32
    %c0_i32_0 = arith.constant 0 : i32
    return %c0_i32, %arg1 : i32, i32
  }
  func.func @transform_2(%arg0: i32, %arg1: i32) -> (i32, i32) {
    %c0_i32 = arith.constant 0 : i32
    %c0_i32_0 = arith.constant 0 : i32
    return %c0_i32, %arg1 : i32, i32
  }
  func.func @transform_3(%arg0: i32, %arg1: i32) -> (i32, i32, i32) {
    %c0_i32 = arith.constant 0 : i32
    %c0_i32_0 = arith.constant 0 : i32
    %c0_i32_1 = arith.constant 0 : i32
    return %arg1, %c0_i32, %c0_i32_0 : i32, i32, i32
  }
  func.func @transform_4(%arg0: i32, %arg1: i32) -> (i32, i32) {
    %mul3A = arith.constant 25 : i32
    %mul3A_0 = arith.muli %arg1, %mul3A : i32
    %add3A = arith.addi %mul3A_0, %arg0 : i32
    %c0_i32 = arith.constant 0 : i32
    %c0_i32_1 = arith.constant 0 : i32
    return %add3A, %c0_i32 : i32, i32
  }
  func.func @transform_5(%arg0: i32, %arg1: i32) -> (i32, i32) {
    %mul3A = arith.constant 25 : i32
    %mul3A_0 = arith.muli %arg1, %mul3A : i32
    %add3A = arith.addi %mul3A_0, %arg0 : i32
    %c0_i32 = arith.constant 0 : i32
    %c0_i32_1 = arith.constant 0 : i32
    return %add3A, %c0_i32 : i32, i32
  }
}

module attributes {stable_mosaic.version = 14 : i64} {
  func.func @_update_body(%arg0: i32, %arg1: memref<400x128xf32, #tpu.memory_space<vmem>>, %arg2: memref<400x128xf32, #tpu.memory_space<vmem>>, %arg3: memref<400x128xf32, #tpu.memory_space<vmem>>, %arg4: memref<400x128xf32, #tpu.memory_space<vmem>>, %arg5: memref<400x256xf32, #tpu.memory_space<vmem>>, %arg6: memref<256x256xf32, #tpu.memory_space<vmem>>, %arg7: memref<1x256xf32, #tpu.memory_space<vmem>>, %arg8: memref<512x256xf32, #tpu.memory_space<vmem>>, %arg9: memref<1x256xf32, #tpu.memory_space<vmem>>, %arg10: memref<256x256xf32, #tpu.memory_space<vmem>>, %arg11: memref<1x256xf32, #tpu.memory_space<vmem>>, %arg12: memref<1x256xf32, #tpu.memory_space<vmem>>, %arg13: memref<1x256xf32, #tpu.memory_space<vmem>>, %arg14: memref<400x256xf32, #tpu.memory_space<vmem>>) attributes {dimension_semantics = [#tpu.dimension_semantics<arbitrary>], iteration_bounds = array<i64: 25>, scalar_prefetch = 0 : i64, scratch_operands = 0 : i64, tpu.core_type = #tpu.core_type<tc>, window_params = [{transform_indices = @transform_0, window_bounds = array<i64: 400, 128>}, {transform_indices = @transform_1, window_bounds = array<i64: 400, 128>}, {transform_indices = @transform_2, window_bounds = array<i64: 400, 128>}, {transform_indices = @transform_3, window_bounds = array<i64: 400, 128>}, {transform_indices = @transform_4, window_bounds = array<i64: 400, 256>}, {pipeline_mode = #tpu.pipeline_mode<synchronous>, transform_indices = @transform_5, window_bounds = array<i64: 256, 256>}, {pipeline_mode = #tpu.pipeline_mode<synchronous>, transform_indices = @transform_6, window_bounds = array<i64: 1, 256>}, {pipeline_mode = #tpu.pipeline_mode<synchronous>, transform_indices = @transform_7, window_bounds = array<i64: 512, 256>}, {pipeline_mode = #tpu.pipeline_mode<synchronous>, transform_indices = @transform_8, window_bounds = array<i64: 1, 256>}, {pipeline_mode = #tpu.pipeline_mode<synchronous>, transform_indices = @transform_9, window_bounds = array<i64: 256, 256>}, {pipeline_mode = #tpu.pipeline_mode<synchronous>, transform_indices = @transform_10, window_bounds = array<i64: 1, 256>}, {pipeline_mode = #tpu.pipeline_mode<synchronous>, transform_indices = @transform_11, window_bounds = array<i64: 1, 256>}, {pipeline_mode = #tpu.pipeline_mode<synchronous>, transform_indices = @transform_12, window_bounds = array<i64: 1, 256>}, {transform_indices = @transform_13, window_bounds = array<i64: 400, 256>}]} {
    %get3A = arith.constant 0 : index
    %get3A_0 = arith.constant 0 : index
    %get3A_1 = vector.load %arg1[%get3A, %get3A_0] : memref<400x128xf32, #tpu.memory_space<vmem>>, vector<400x128xf32>
    %get3A_2 = arith.constant 0 : index
    %get3A_3 = arith.constant 0 : index
    %get3A_4 = vector.load %arg2[%get3A_2, %get3A_3] : memref<400x128xf32, #tpu.memory_space<vmem>>, vector<400x128xf32>
    %concatenate3A = tpu.concatenate %get3A_1, %get3A_4 in 1 : vector<400x128xf32>, vector<400x128xf32> -> vector<400x256xf32>
    %get3A_5 = arith.constant 0 : index
    %get3A_6 = arith.constant 0 : index
    %get3A_7 = vector.load %arg3[%get3A_5, %get3A_6] : memref<400x128xf32, #tpu.memory_space<vmem>>, vector<400x1xf32>
    %get3A_8 = arith.constant 0 : index
    %get3A_9 = arith.constant 0 : index
    %get3A_10 = vector.load %arg4[%get3A_8, %get3A_9] : memref<400x128xf32, #tpu.memory_space<vmem>>, vector<400x1xf32>
    %add3A = arith.addf %get3A_7, %get3A_10 : vector<400x1xf32>
    %get3A_11 = arith.constant 0 : index
    %get3A_12 = arith.constant 0 : index
    %get3A_13 = vector.load %arg6[%get3A_11, %get3A_12] : memref<256x256xf32, #tpu.memory_space<vmem>>, vector<256x256xf32>
    %dot_general3A = arith.constant dense<0.000000e+00> : vector<400x256xf32>
    %dot_general3A_14 = tpu.matmul %concatenate3A, %get3A_13, %dot_general3A {dimension_numbers = #tpu.dot_dimension_numbers<[1], [0], [0], [1], [0, 0, 1, 1], [], []>, transpose_lhs_hint = false} : vector<400x256xf32>, vector<256x256xf32>, vector<400x256xf32> -> vector<400x256xf32>
    %get3A_15 = arith.constant 0 : index
    %get3A_16 = arith.constant 0 : index
    %get3A_17 = vector.load %arg7[%get3A_15, %get3A_16] : memref<1x256xf32, #tpu.memory_space<vmem>>, vector<1x256xf32>
    %mul3A = vector.broadcast %add3A : vector<400x1xf32> to vector<400x256xf32>
    %mul3A_18 = vector.broadcast %get3A_17 : vector<1x256xf32> to vector<400x256xf32>
    %mul3A_19 = arith.mulf %mul3A, %mul3A_18 : vector<400x256xf32>
    %add3A_20 = arith.addf %dot_general3A_14, %mul3A_19 : vector<400x256xf32>
    %get3A_21 = arith.constant 0 : index
    %get3A_22 = arith.constant 0 : index
    %get3A_23 = vector.load %arg5[%get3A_21, %get3A_22] : memref<400x256xf32, #tpu.memory_space<vmem>>, vector<400x256xf32>
    %get3A_24 = arith.constant 0 : index
    %get3A_25 = arith.constant 0 : index
    %get3A_26 = vector.load %arg8[%get3A_24, %get3A_25] : memref<512x256xf32, #tpu.memory_space<vmem>>, vector<256x256xf32>
    %dot_general3A_27 = arith.constant dense<0.000000e+00> : vector<400x256xf32>
    %dot_general3A_28 = tpu.matmul %get3A_23, %get3A_26, %dot_general3A_27 {dimension_numbers = #tpu.dot_dimension_numbers<[1], [0], [0], [1], [0, 0, 1, 1], [], []>, transpose_lhs_hint = false} : vector<400x256xf32>, vector<256x256xf32>, vector<400x256xf32> -> vector<400x256xf32>
    %get3A_29 = arith.constant 256 : index
    %get3A_30 = arith.constant 0 : index
    %get3A_31 = vector.load %arg8[%get3A_29, %get3A_30] : memref<512x256xf32, #tpu.memory_space<vmem>>, vector<256x256xf32>
    %dot_general3A_32 = arith.constant dense<0.000000e+00> : vector<400x256xf32>
    %dot_general3A_33 = tpu.matmul %add3A_20, %get3A_31, %dot_general3A_32 {dimension_numbers = #tpu.dot_dimension_numbers<[1], [0], [0], [1], [0, 0, 1, 1], [], []>, transpose_lhs_hint = false} : vector<400x256xf32>, vector<256x256xf32>, vector<400x256xf32> -> vector<400x256xf32>
    %add3A_34 = arith.addf %dot_general3A_28, %dot_general3A_33 : vector<400x256xf32>
    %get3A_35 = arith.constant 0 : index
    %get3A_36 = arith.constant 0 : index
    %get3A_37 = vector.load %arg9[%get3A_35, %get3A_36] : memref<1x256xf32, #tpu.memory_space<vmem>>, vector<1x256xf32>
    %add3A_38 = vector.broadcast %get3A_37 : vector<1x256xf32> to vector<400x256xf32>
    %add3A_39 = arith.addf %add3A_34, %add3A_38 : vector<400x256xf32>
    %logistic3A = arith.negf %add3A_39 : vector<400x256xf32>
    %logistic3A_40 = math.exp %logistic3A : vector<400x256xf32>
    %logistic3A_41 = arith.constant 1.000000e+00 : f32
    %logistic3A_42 = vector.broadcast %logistic3A_41 : f32 to vector<400x256xf32>
    %logistic3A_43 = arith.addf %logistic3A_42, %logistic3A_40 : vector<400x256xf32>
    %logistic3A_44 = arith.divf %logistic3A_42, %logistic3A_43 : vector<400x256xf32>
    %mul3A_45 = arith.mulf %add3A_39, %logistic3A_44 : vector<400x256xf32>
    %get3A_46 = arith.constant 0 : index
    %get3A_47 = arith.constant 0 : index
    %get3A_48 = vector.load %arg10[%get3A_46, %get3A_47] : memref<256x256xf32, #tpu.memory_space<vmem>>, vector<256x256xf32>
    %dot_general3A_49 = arith.constant dense<0.000000e+00> : vector<400x256xf32>
    %dot_general3A_50 = tpu.matmul %mul3A_45, %get3A_48, %dot_general3A_49 {dimension_numbers = #tpu.dot_dimension_numbers<[1], [0], [0], [1], [0, 0, 1, 1], [], []>, transpose_lhs_hint = false} : vector<400x256xf32>, vector<256x256xf32>, vector<400x256xf32> -> vector<400x256xf32>
    %get3A_51 = arith.constant 0 : index
    %get3A_52 = arith.constant 0 : index
    %get3A_53 = vector.load %arg11[%get3A_51, %get3A_52] : memref<1x256xf32, #tpu.memory_space<vmem>>, vector<1x256xf32>
    %add3A_54 = vector.broadcast %get3A_53 : vector<1x256xf32> to vector<400x256xf32>
    %add3A_55 = arith.addf %dot_general3A_50, %add3A_54 : vector<400x256xf32>
    %add3A_56 = arith.addf %get3A_23, %add3A_55 : vector<400x256xf32>
    %reduce_sum3A = arith.constant dense<0.000000e+00> : vector<400xf32>
    %reduce_sum3A_57 = vector.multi_reduction <add>, %add3A_56, %reduce_sum3A [1] : vector<400x256xf32> to vector<400xf32>
    %broadcast_in_dim3A = vector.shape_cast %reduce_sum3A_57 : vector<400xf32> to vector<400x1xf32>
    %div3A = arith.constant 2.560000e+02 : f32
    %div3A_58 = vector.broadcast %div3A : f32 to vector<400x1xf32>
    %div3A_59 = arith.divf %broadcast_in_dim3A, %div3A_58 : vector<400x1xf32>
    %sub3A = vector.broadcast %div3A_59 : vector<400x1xf32> to vector<400x256xf32>
    %sub3A_60 = arith.subf %add3A_56, %sub3A : vector<400x256xf32>
    %mul3A_61 = arith.mulf %sub3A_60, %sub3A_60 : vector<400x256xf32>
    %reduce_sum3A_62 = arith.constant dense<0.000000e+00> : vector<400xf32>
    %reduce_sum3A_63 = vector.multi_reduction <add>, %mul3A_61, %reduce_sum3A_62 [1] : vector<400x256xf32> to vector<400xf32>
    %broadcast_in_dim3A_64 = vector.shape_cast %reduce_sum3A_63 : vector<400xf32> to vector<400x1xf32>
    %div3A_65 = arith.constant 2.560000e+02 : f32
    %div3A_66 = vector.broadcast %div3A_65 : f32 to vector<400x1xf32>
    %div3A_67 = arith.divf %broadcast_in_dim3A_64, %div3A_66 : vector<400x1xf32>
    %get3A_68 = arith.constant 0 : index
    %get3A_69 = arith.constant 0 : index
    %get3A_70 = vector.load %arg12[%get3A_68, %get3A_69] : memref<1x256xf32, #tpu.memory_space<vmem>>, vector<1x256xf32>
    %mul3A_71 = vector.broadcast %get3A_70 : vector<1x256xf32> to vector<400x256xf32>
    %mul3A_72 = arith.mulf %mul3A_71, %sub3A_60 : vector<400x256xf32>
    %add3A_73 = arith.constant 9.99999974E-6 : f32
    %add3A_74 = vector.broadcast %add3A_73 : f32 to vector<400x1xf32>
    %add3A_75 = arith.addf %div3A_67, %add3A_74 : vector<400x1xf32>
    %rsqrt3A = math.rsqrt %add3A_75 : vector<400x1xf32>
    %mul3A_76 = vector.broadcast %rsqrt3A : vector<400x1xf32> to vector<400x256xf32>
    %mul3A_77 = arith.mulf %mul3A_72, %mul3A_76 : vector<400x256xf32>
    %get3A_78 = arith.constant 0 : index
    %get3A_79 = arith.constant 0 : index
    %get3A_80 = vector.load %arg13[%get3A_78, %get3A_79] : memref<1x256xf32, #tpu.memory_space<vmem>>, vector<1x256xf32>
    %add3A_81 = vector.broadcast %get3A_80 : vector<1x256xf32> to vector<400x256xf32>
    %add3A_82 = arith.addf %mul3A_77, %add3A_81 : vector<400x256xf32>
    %swap3A = arith.constant 0 : index
    %swap3A_83 = arith.constant 0 : index
    %swap3A_84 = vector.load %arg14[%swap3A, %swap3A_83] : memref<400x256xf32, #tpu.memory_space<vmem>>, vector<400x256xf32>
    tpu.vector_store %arg14[%swap3A, %swap3A_83], %add3A_82 {strides = array<i32>} : memref<400x256xf32, #tpu.memory_space<vmem>>, vector<400x256xf32>,
    return
  }
  func.func @transform_0(%arg0: i32) -> (i32, i32) {
    %c0_i32 = arith.constant 0 : i32
    %c0_i32_0 = arith.constant 0 : i32
    return %arg0, %c0_i32 : i32, i32
  }
  func.func @transform_1(%arg0: i32) -> (i32, i32) {
    %add3A = arith.constant 25 : i32
    %add3A_0 = arith.addi %add3A, %arg0 : i32
    %c0_i32 = arith.constant 0 : i32
    %c0_i32_1 = arith.constant 0 : i32
    return %add3A_0, %c0_i32 : i32, i32
  }
  func.func @transform_2(%arg0: i32) -> (i32, i32) {
    %c0_i32 = arith.constant 0 : i32
    %c0_i32_0 = arith.constant 0 : i32
    return %arg0, %c0_i32 : i32, i32
  }
  func.func @transform_3(%arg0: i32) -> (i32, i32) {
    %add3A = arith.constant 25 : i32
    %add3A_0 = arith.addi %add3A, %arg0 : i32
    %c0_i32 = arith.constant 0 : i32
    %c0_i32_1 = arith.constant 0 : i32
    return %add3A_0, %c0_i32 : i32, i32
  }
  func.func @transform_4(%arg0: i32) -> (i32, i32) {
    %c0_i32 = arith.constant 0 : i32
    %c0_i32_0 = arith.constant 0 : i32
    return %arg0, %c0_i32 : i32, i32
  }
  func.func @transform_5(%arg0: i32) -> (i32, i32) {
    %c0_i32 = arith.constant 0 : i32
    %c0_i32_0 = arith.constant 0 : i32
    %c0_i32_1 = arith.constant 0 : i32
    return %c0_i32, %c0_i32_0 : i32, i32
  }
  func.func @transform_6(%arg0: i32) -> (i32, i32) {
    %c0_i32 = arith.constant 0 : i32
    %c0_i32_0 = arith.constant 0 : i32
    %c0_i32_1 = arith.constant 0 : i32
    return %c0_i32, %c0_i32_0 : i32, i32
  }
  func.func @transform_7(%arg0: i32) -> (i32, i32) {
    %c0_i32 = arith.constant 0 : i32
    %c0_i32_0 = arith.constant 0 : i32
    %c0_i32_1 = arith.constant 0 : i32
    return %c0_i32, %c0_i32_0 : i32, i32
  }
  func.func @transform_8(%arg0: i32) -> (i32, i32) {
    %c0_i32 = arith.constant 0 : i32
    %c0_i32_0 = arith.constant 0 : i32
    %c0_i32_1 = arith.constant 0 : i32
    return %c0_i32, %c0_i32_0 : i32, i32
  }
  func.func @transform_9(%arg0: i32) -> (i32, i32) {
    %c0_i32 = arith.constant 0 : i32
    %c0_i32_0 = arith.constant 0 : i32
    %c0_i32_1 = arith.constant 0 : i32
    return %c0_i32, %c0_i32_0 : i32, i32
  }
  func.func @transform_10(%arg0: i32) -> (i32, i32) {
    %c0_i32 = arith.constant 0 : i32
    %c0_i32_0 = arith.constant 0 : i32
    %c0_i32_1 = arith.constant 0 : i32
    return %c0_i32, %c0_i32_0 : i32, i32
  }
  func.func @transform_11(%arg0: i32) -> (i32, i32) {
    %c0_i32 = arith.constant 0 : i32
    %c0_i32_0 = arith.constant 0 : i32
    %c0_i32_1 = arith.constant 0 : i32
    return %c0_i32, %c0_i32_0 : i32, i32
  }
  func.func @transform_12(%arg0: i32) -> (i32, i32) {
    %c0_i32 = arith.constant 0 : i32
    %c0_i32_0 = arith.constant 0 : i32
    %c0_i32_1 = arith.constant 0 : i32
    return %c0_i32, %c0_i32_0 : i32, i32
  }
  func.func @transform_13(%arg0: i32) -> (i32, i32) {
    %c0_i32 = arith.constant 0 : i32
    %c0_i32_0 = arith.constant 0 : i32
    return %arg0, %c0_i32 : i32, i32
  }
}

</mosaic_0001>

<sc_bundles>
// kernel: kernel.10.cloned.1.call-start
scs
__scs_entry_jumppad:
0x0: {  	(pc) =	sbr.rel $0x88, $3  }
0x1: {  	(tag) =	ssettag $0x0;
	lr =	simm.s32 $0x1  }
0x2: {  	[smem:$0x3F94] =	sst lr;
	_ =	strace $0xD0000000  }
0x3: {  	_ = 	snop  }
0x4: {  	_ = 	snop  }
0x5: {  	_ = 	snop  }
0x6: {  	_ = 	snop  }
0x7: {  	_ = 	snop  }
__scs_overlays_trampoline_lowered:
0x8: {  	[smem:$0x3FA3] =	sst s0  }
0x9: {  	[smem:$0x3FA4] =	sst s1  }
0xa: {  	[smem:$0x3FA5] =	sst s2  }
0xb: {  	[smem:$0x3FA6] =	sst s3  }
0xc: {  	[smem:$0x3FA7] =	sst s4  }
0xd: {  	[smem:$0x3FA8] =	sst s5  }
0xe: {  	[smem:$0x3FA9] =	sst s6  }
0xf: {  	[smem:$0x3FAA] =	sst s7  }
0x10: {  	[smem:$0x3FAB] =	sst s8  }
0x11: {  	[smem:$0x3FAC] =	sst s9;
	s0 =	simm.s32 @!p0 $0x0  }
0x12: {  	s1 =	sld [smem:$0x3F92];
	s0 =	simm.s32 @p0 $0x1  }
0x13: {  	[smem:$0x3FAD] =	sst s0;
	s0 =	simm.s32 @!p1 $0x0  }
0x14: {  	s2 =	sld [smem:$0x3F91];
	s0 =	simm.s32 @p1 $0x1  }
0x15: {  	[smem:$0x3FAE] =	sst s0;
	s0 =	simm.s32 @!p2 $0x0  }
0x16: {  	s3 =	sld [smem:$0x3FDB];
	s0 =	simm.s32 @p2 $0x1  }
0x17: {  	s4 =	simm.s32 $0x1BF5;
	[smem:$0x3FB0] =	sst s0  }
0x18: {  	s0 =	sld [smem:$0x3F93];
	_ =	swait.ge [sflag:s4], $0x0  }
0x19: {  	s7 =	sld [smem:$0x3F94]  }
0x1a: {  	s8 =	sadd.s32 $0xFFFFE003, lr  }
0x1b: {  	s9 =	sadd.s32 $0xFFFFFEF7, lr;
	s5 =	simm.s32 $0xFFFFFFFF;
	p2 =	slt.u32 s8, $0xFFFFF086  }
0x1c: {  	p1 =	slt.u32 s9, $0xF7A;
	s5 =	simm.s32 @!p2 $0x0  }
0x1d: {  	s5 =	simm.s32 @p1 $0x1;
	p0 =	seq.s32 s7, s2  }
0x1e: {  	s7 =	smul.u32 @!p0 $0xF7A, s2;
	p2 =	seq.s32 @!p0 s5, $0x0  }
0x1f: {  	s9 =	smul.u32 $0xF7A, s1;
	s8 =	simm.s32 @!p0 $0x1BF5;
	p2 =	por !p2, p0  }
0x20: {  	[sflag:s8] =	ssyncset.s32 @!p0 $0xFFFFF086;
	s6 =	sadd.s32 @!p0 s3, s7;
	s7 =	simm.s32 @!p0 $0x108  }
0x21: {  	s3 =	sadd.s32 s3, s9;
	s6 =	sadd.s32 @!p0 $0x88, s6;
	s7 =	simm.s32 @p2 $0x1082  }
0x22: {  	[simem:s7], [sflag:s8] =	dma.local @!p0 [hbm:s6], $0xF7A  }
0x23: {  	s9 =	sor.u32 $0xD0000000, s2;
	s6 =	simm.s32 $0x108;
	_ =	swait.ge @!p0 [sflag:s8], $0x0  }
0x24: {  	s3 =	sadd.s32 $0x88, s3;
	s6 =	simm.s32 @!p1 $0x1082;
	[sflag:s4] =	ssyncset.s32 $0xFFFFF086  }
0x25: {  	[simem:s6], [sflag:s4] =	dma.local [hbm:s3], $0xF7A  }
0x26: {  	[smem:$0x3F94] =	sst s1;
	(tag) =	ssettag s2;
	_ =	strace s9  }
0x27: {  	s1 =	sld [smem:$0x3FA4]  }
0x28: {  	s2 =	sld [smem:$0x3FA5]  }
0x29: {  	s4 =	sld [smem:$0x3FA7]  }
0x2a: {  	p0 =	seq.s32 s5, $0x0;
	s5 =	sld [smem:$0x3FA8]  }
0x2b: {  	s6 =	sld [smem:$0x3FA9]  }
0x2c: {  	s7 =	sld [smem:$0x3FAA]  }
0x2d: {  	s3 =	simm.s32 $0x108;
	s8 =	sld [smem:$0x3FAB]  }
0x2e: {  	s3 =	simm.s32 @!p0 $0x1082;
	s9 =	sld [smem:$0x3FAC]  }
0x2f: {  	lr =	sadd.s32 s0, s3;
	s0 =	sld [smem:$0x3FA3]  }
0x30: {  	s3 =	sld [smem:$0x3FA6]  }
0x31: {  	[smem:$0x3FAF] =	sst s10  }
0x32: {  	s10 =	sld [smem:$0x3FAD];
	_ =	sdelay $0x3  }
0x33: {  	p0 =	seq.s32 s10, $0x1;
	s10 =	sld [smem:$0x3FAF];
	_ =	sdelay $0x3  }
0x34: {  	[smem:$0x3FAF] =	sst s10  }
0x35: {  	s10 =	sld [smem:$0x3FAE];
	_ =	sdelay $0x3  }
0x36: {  	p1 =	seq.s32 s10, $0x1;
	s10 =	sld [smem:$0x3FAF];
	_ =	sdelay $0x3  }
0x37: {  	[smem:$0x3FAF] =	sst s10  }
0x38: {  	s10 =	sld [smem:$0x3FB0]  }
0x39: {  	_ = 	snop;
	(pc) =	sbr.ind lr, $3  }
0x3a: {  	_ = 	snop  }
0x3b: {  	_ = 	snop  }
0x3c: {  	p2 =	seq.s32 s10, $0x1;
	s10 =	sld [smem:$0x3FAF]  }
0x3d: {  	_ =	shalt  }
0x3e: {  	_ =	shalt  }
0x3f: {  	_ =	shalt  }
0x40: {  	_ =	shalt  }
0x41: {  	_ =	shalt  }
0x42: {  	_ =	shalt  }
0x43: {  	_ =	shalt  }
0x44: {  	_ =	shalt  }
0x45: {  	_ =	shalt  }
0x46: {  	_ =	shalt  }
0x47: {  	_ =	shalt  }
0x48: {  	_ =	shalt  }
0x49: {  	_ =	shalt  }
0x4a: {  	_ =	shalt  }
0x4b: {  	_ =	shalt  }
0x4c: {  	_ =	shalt  }
0x4d: {  	_ =	shalt  }
0x4e: {  	_ =	shalt  }
0x4f: {  	_ =	shalt  }
0x50: {  	_ =	shalt  }
0x51: {  	_ =	shalt  }
0x52: {  	_ =	shalt  }
0x53: {  	_ =	shalt  }
0x54: {  	_ =	shalt  }
0x55: {  	_ =	shalt  }
0x56: {  	_ =	shalt  }
0x57: {  	_ =	shalt  }
0x58: {  	_ =	shalt  }
0x59: {  	_ =	shalt  }
0x5a: {  	_ =	shalt  }
0x5b: {  	_ =	shalt  }
0x5c: {  	_ =	shalt  }
0x5d: {  	_ =	shalt  }
0x5e: {  	_ =	shalt  }
0x5f: {  	_ =	shalt  }
0x60: {  	_ =	shalt  }
0x61: {  	_ =	shalt  }
0x62: {  	_ =	shalt  }
0x63: {  	_ =	shalt  }
0x64: {  	_ =	shalt  }
0x65: {  	_ =	shalt  }
0x66: {  	_ =	shalt  }
0x67: {  	_ =	shalt  }
0x68: {  	_ =	shalt  }
0x69: {  	_ =	shalt  }
0x6a: {  	_ =	shalt  }
0x6b: {  	_ =	shalt  }
0x6c: {  	_ =	shalt  }
0x6d: {  	_ =	shalt  }
0x6e: {  	_ =	shalt  }
0x6f: {  	_ =	shalt  }
0x70: {  	_ =	shalt  }
0x71: {  	_ =	shalt  }
0x72: {  	_ =	shalt  }
0x73: {  	_ =	shalt  }
0x74: {  	_ =	shalt  }
0x75: {  	_ =	shalt  }
0x76: {  	_ =	shalt  }
0x77: {  	_ =	shalt  }
0x78: {  	_ =	shalt  }
0x79: {  	_ =	shalt  }
0x7a: {  	_ =	shalt  }
0x7b: {  	_ =	shalt  }
0x7c: {  	_ =	shalt  }
0x7d: {  	_ =	shalt  }
0x7e: {  	_ =	shalt  }
0x7f: {  	_ =	shalt  }
0x80: {  	_ =	shalt  }
0x81: {  	_ =	shalt  }
0x82: {  	_ =	shalt  }
0x83: {  	_ =	shalt  }
0x84: {  	_ =	shalt  }
0x85: {  	_ =	shalt  }
0x86: {  	_ =	shalt  }
0x87: {  	_ =	shalt  }
.Lfunc_end0:
.L_simem_size_0:
called_computation.1_lowered:
.L_overlay_start_0:
0x88: {  	s2 =	sld [smem:$0x3FD9]  }
0x89: {  	s3 =	sld [smem:$0x3FFE];
	_ =	sdelay $0x1  }
0x8a: {  	s1 =	srdreg.scid  }
0x8b: {  	s0 =	sand.u32 $0x1, s1  }
0x8c: {  	s17 =	sshll.u32 s0, $0xA;
	s2 =	sadd.s32 s3, s2  }
0x8d: {  	s2 =	sadd.s32 s2, s17  }
0x8e: {  	[smem:$0x3FBB] =	sst s2  }
0x8f: {  	_ = 	snop  }
0x90: {  	s2 =	sld [smem:$0x3FD0];
	(tm) =	ssettm $0x1  }
0x91: {  	s18 =	sld [smem:$0x3FFB];
	_ =	sdelay $0x3  }
0x92: {  	_ =	strace s18  }
0x93: {  	s3 =	sld [smem:$0x3FFC];
	_ =	sdelay $0x3  }
0x94: {  	_ =	strace s3  }
0x95: {  	s3 =	sld [smem:$0x3FFD];
	_ =	sdelay $0x3  }
0x96: {  	_ =	strace s3  }
0x97: {  	_ =	strace $0x8FFFFFFF  }
0x98: {  	s19 =	sld [smem:$0x3FDB];
	_ =	sdelay $0x1  }
0x99: {  	s4 =	simm.s32 $_scs_section_size  }
0x9a: {  	s5 =	simm.s32 $_size__tile_overlayer_lowered;
	s6 =	simm.s32 $_tile_overlayer_lowered  }
0x9b: {  	s22 =	simm.s32 $0x1BFF;
	s21 =	sshll.u32 s6, $0x1;
	s3 =	sadd.s32 s4, s19  }
0x9c: {  	s7 =	simm.s32 $0x0;
	s20 =	sshll.u32 s5, $0x1;
	s5 =	sadd.s32 s21, s3  }
0x9d: {  	[timem:s7], [sflag:s22] =	dma.local [hbm:s5], s20  }
0x9e: {  	_ =	swait.ge [sflag:s22], s20  }
0x9f: {  	s4 =	ssub.s32 $0x0, s20;
	[sflag:s22] =	ssyncset.done $0x0  }
0xa0: {  	[sflag:s22] =	ssyncadd.s32 s4;
	_ =	sdelay $0x1  }
0xa1: {  	s23 =	simm.s32 $0x1B8B  }
0xa2: {  	_ =	swait.ge [sflag:s23], $0x1  }
0xa3: {  	[sflag:s23] =	ssyncset.done $0x0  }
0xa4: {  	s25 =	simm.s32 $0x1B8E;
	s24 =	sld [smem:$0x3FFE];
	[sflag:s23] =	ssyncadd.s32 $0xFFFFFFFF  }
0xa5: {  	s26 =	simm.s32 $execute0_lowered;
	[smem:$0x3FD2] =	sst s25  }
0xa6: {  	s5 =	sshll.u32 s26, $0x1;
	_ =	strace $0x80000046;
	[dreg:$0x1] =	wrdreg $0xFFFFFFFF  }
0xa7: {  	s28 =	simm.s32 $_size_execute0_lowered;
	s3 =	sadd.s32 s3, s5;
	[dreg:$0x0] =	wrdreg $0x0  }
0xa8: {  	s5 =	sshll.u32 s28, $0x1;
	[dreg:$0x2] =	wrdreg s3  }
0xa9: {  	[dreg:$0x3] =	wrdreg s5  }
0xaa: {  	[dreg:$0x4] =	wrdreg $0xC0  }
0xab: {  	_ =	task [dreg:s7], $0x5FFFF  }
0xac: {  	[dreg:$0x1] =	wrdreg $0xFFFFFFFF  }
0xad: {  	[dreg:$0x0] =	wrdreg $0x60  }
0xae: {  	[dreg:$0x2] =	wrdreg s2  }
0xaf: {  	[dreg:$0x3] =	wrdreg s24  }
0xb0: {  	[dreg:$0x4] =	wrdreg $0x0  }
0xb1: {  	[dreg:$0x5] =	wrdreg $0xA  }
0xb2: {  	_ =	task.clear_ibuf [dreg:s7], $0x6FFFF;
	_ =	strace $0x90000046  }
0xb3: {  	s29 =	simm.s32 $0xA;
	_ =	strace $0x80000048  }
0xb4: {  	_ =	swait.ge [sflag:s29], $0x1  }
0xb5: {  	[sflag:s29] =	ssyncadd.s32 $0xFFFFFFFF  }
0xb6: {  	_ =	strace $0x90000048  }
0xb7: {  	_ =	sfence  }
0xb8: {  	s30 =	sld [smem:$0x0];
	_ =	sdelay $0x2  }
0xb9: {  	s31 =	sshll.u32 s1, $0xD;
	s1 =	sshrl.u32 s1, $0x2  }
0xba: {  	s3 =	sand.u32 $0x4000, s31;
	s1 =	sadd.s32 s1, s30  }
0xbb: {  	s0 =	sor.u32 s3, s0;
	s1 =	sshll.u32 s1, $0x11  }
0xbc: {  	s0 =	sor.u32 s1, s0  }
0xbd: {  	s0 =	sadd.s32 $0x8F2B, s0  }
0xbe: {  	[sflag:s0] =	ssyncadd.remote.s32 $0x1  }
0xbf: {  	_ =	sfence.sel $0xFFFF  }
0xc0: {  	[dreg:$0x0] =	wrdreg $0xFFFFFFFF;
	(pc) =	sbr.abs _section_cstart, $3  }
0xc1: {  	[dreg:$0x1] =	wrdreg $0xFFFFFFFF  }
0xc2: {  	_ =	task.clear_ibuf [dreg:s7], $0x2FFFF;
	_ =	strace $0x9FFFFFFF  }
0xc3: {  	(tm) =	ssettm $0x7FFFFFFF  }
tec
execute0_lowered:
.L_overlay_start_1:
0x0: {  	(tag) =	ssettag $0x1  }
0x1: {  	s1 =	rddreg [dreg:$0x0]  }
0x2: {  	s0 =	rddreg [dreg:$0x1]  }
0x3: {  	s2 =	rddreg [dreg:$0x2];
	s3 =	simm.s32 $0x0  }
0x4: {  	s18 =	stileid.u32;
	s4 =	srdreg.scid;
	s31 =	simm.s32 $0x13880  }
0x5: {  	s28 =	simm.s32 $0x1;
	s29 =	simm.s32 $0x2;
	[smem:$0x7FF] =	sst s3  }
0x6: {  	s5 =	sadd.s32 $0x2000, s0;
	s6 =	sadd.s32 $0x27D000, s0;
	s11 =	smul.u32 $0x270, s18  }
0x7: {  	s7 =	sadd.s32 $0x273000, s0;
	s4 =	sand.u32 $0x1, s4;
	s22 =	smul.u32 $0x4E000, s18  }
0x8: {  	s8 =	sadd.s32 $0x278000, s0;
	s0 =	sadd.s32 $0x50200, s0;
	s17 =	smul.u32 $0x2710, s4  }
0x9: {  	_ =	strace $0x80000047;
	s12 =	ssub.s32 $0x2, s4;
	s10 =	smul.u32 $0x27100, s4  }
0xa: {  	s4 =	smul.u32 $0x138800, s4;
	s13 =	sadd.s32 $0x230, s11;
	s14 =	sshrl.u32 s12, $0x1  }
0xb: {  	s23 =	sshrl.u32 s22, $0x2;
	s15 =	sshll.u32 s13, $0x7;
	s12 =	ssub.s32 s12, s14  }
0xc: {  	s13 =	sadd.s32 s17, s13;
	s16 =	sadd.s32 s23, s2;
	s24 =	smax.u32 s12, $0x1  }
0xd: {  	s11 =	sadd.s32 s11, s17;
	s25 =	sadd.s32 $0x2800, s16;
	[dreg:$0x6] =	wrdreg s24  }
0xe: {  	s4 =	sshrl.u32 s4, $0x3;
	s26 =	sadd.s32 $0x5000, s16;
	[dreg:$0x7] =	wrdreg s25  }
0xf: {  	s19 =	sadd.s32 s15, s2;
	s14 =	sadd.s32 $0xA000, s16;
	[dreg:$0x8] =	wrdreg s26  }
0x10: {  	s13 =	sshll.u32 s13, $0x4;
	s15 =	sadd.s32 $0xC800, s16;
	[dreg:$0xa] =	wrdreg s14  }
0x11: {  	s4 =	sadd.s32 s0, s4;
	s13 =	sadd.s32 s0, s13;
	[dreg:$0xc] =	wrdreg s15  }
0x12: {  	s12 =	sshll.u32 s11, $0x4;
	s4 =	sadd.s32 $0x27000, s4;
	[dreg:$0x4] =	wrdreg s13  }
0x13: {  	s30 =	simm.s32 $0x0;
	s0 =	sadd.s32 s0, s12;
	[dreg:$0x5] =	wrdreg s4  }
0x14: {  	s9 =	smul.u32 $0x2710, s18;
	s13 =	sadd.s32 $0x7800, s16;
	[dreg:$0xb] =	wrdreg s0  }
0x15: {  	s21 =	sadd.s32 $0x138000, s2;
	s20 =	sadd.s32 $0x500, s0;
	[dreg:$0x9] =	wrdreg s13  }
0x16: {  	p0 =	sne.s32 s18, $0xF;
	s22 =	sadd.s32 $0xA00, s0;
	[dreg:$0xd] =	wrdreg s20  }
0x17: {  	s23 =	sadd.s32 $0xF000, s16;
	s24 =	sadd.s32 $0xF00, s0;
	[dreg:$0xe] =	wrdreg s22  }
0x18: {  	s14 =	simm.s32 $0x50;
	s25 =	sadd.s32 $0x1400, s0;
	[dreg:$0xf] =	wrdreg s24  }
0x19: {  	s15 =	simm.s32 $0x1B180;
	s26 =	sadd.s32 $0x1900, s0;
	[dreg:$0x10] =	wrdreg s25  }
0x1a: {  	s0 =	sadd.s32 $0x1E00, s0;
	s4 =	simm.s32 $0x1B080;
	[dreg:$0x11] =	wrdreg s26  }
0x1b: {  	[dreg:$0x12] =	wrdreg s0;
	s0 =	simm.s32 $0x3;
	s13 =	simm.s32 $0x1B100  }
0x1c: {  	v1 =	vimm.f32 $0.0e+00;
	v0 =	vmov s17;
	s24 =	simm.s32 $0x1B200;
	s25 =	simm.s32 $0x16080;
	s26 =	simm.s32 $0x18880  }
.LBB2_1:
0x1d: {  	s11 =	simm.s32 $0x0;
	s12 =	simm.s32 $0x200  }
.LBB2_2:
0x1e: {  	p1 =	sne.s32 s12, $0x9E00;
	[tilespmem:s11+$0x138F0] =	vst v1  }
0x1f: {  	[tilespmem:s11+$0x13880] =	vst v1  }
0x20: {  	[tilespmem:s11+$0x13890] =	vst v1  }
.Ltmp0:
0x21: {  	[tilespmem:s11+$0x138A0] =	vst v1;
	(pc) =	sbr.rel @p1 .LBB2_2-.Ltmp0, $4  }
0x22: {  	[tilespmem:s11+$0x138B0] =	vst v1  }
0x23: {  	[tilespmem:s11+$0x138C0] =	vst v1  }
0x24: {  	[tilespmem:s11+$0x138D0] =	vst v1  }
0x25: {  	[tilespmem:s11+$0x138E0] =	vst v1;
	s11 =	sshra.s32 s12, $0x2;
	s12 =	sadd.s32 $0x200, s12  }
0x26: {  	[tilespmem:s11+$0x138F0] =	vst v1  }
0x27: {  	[tilespmem:s11+$0x13880] =	vst v1  }
0x28: {  	[tilespmem:s11+$0x13890] =	vst v1  }
0x29: {  	[tilespmem:s11+$0x138A0] =	vst v1  }
0x2a: {  	[tilespmem:s11+$0x138B0] =	vst v1  }
0x2b: {  	[tilespmem:s11+$0x138C0] =	vst v1  }
0x2c: {  	[tilespmem:s11+$0x138D0] =	vst v1  }
0x2d: {  	[tilespmem:s11+$0x138E0] =	vst v1  }
0x2e: {  	[spmem:s16] =	stream.linear.scatter [tilespmem:s31], [sflag:$0x3], $0x2800, $0x38;
	[tilespmem:$0x1B280] =	vst v63  }
0x2f: {  	_ =	swait.ge [sflag:s0], $0x2800  }
0x30: {  	[sflag:s0] =	ssyncset.done $0x0  }
0x31: {  	s12 =	rddreg [dreg:$0x7];
	[sflag:s0] =	ssyncadd.s32 $0xFFFFD800  }
0x32: {  	[spmem:s12] =	stream.linear.scatter [tilespmem:s31], [sflag:$0x3], $0x2800, $0x38;
	[tilespmem:$0x1B280] =	vst v63  }
0x33: {  	_ =	swait.ge [sflag:s0], $0x2800  }
0x34: {  	[sflag:s0] =	ssyncset.done $0x0  }
0x35: {  	s17 =	rddreg [dreg:$0x8];
	[sflag:s0] =	ssyncadd.s32 $0xFFFFD800  }
0x36: {  	[spmem:s17] =	stream.linear.scatter [tilespmem:s31], [sflag:$0x3], $0x2800, $0x38;
	[tilespmem:$0x1B280] =	vst v63  }
0x37: {  	_ =	swait.ge [sflag:s0], $0x2800  }
0x38: {  	[sflag:s0] =	ssyncset.done $0x0  }
0x39: {  	s18 =	rddreg [dreg:$0x9];
	[sflag:s0] =	ssyncadd.s32 $0xFFFFD800  }
0x3a: {  	[spmem:s18] =	stream.linear.scatter [tilespmem:s31], [sflag:$0x3], $0x2800, $0x38;
	[tilespmem:$0x1B280] =	vst v63  }
0x3b: {  	_ =	swait.ge [sflag:s0], $0x2800  }
0x3c: {  	[sflag:s0] =	ssyncset.done $0x0  }
0x3d: {  	s20 =	rddreg [dreg:$0xa];
	[sflag:s0] =	ssyncadd.s32 $0xFFFFD800  }
0x3e: {  	[spmem:s20] =	stream.linear.scatter [tilespmem:s31], [sflag:$0x3], $0x2800, $0x38;
	[tilespmem:$0x1B280] =	vst v63  }
0x3f: {  	_ =	swait.ge [sflag:s0], $0x2800  }
0x40: {  	[sflag:s0] =	ssyncset.done $0x0  }
0x41: {  	s22 =	rddreg [dreg:$0xc];
	[sflag:s0] =	ssyncadd.s32 $0xFFFFD800  }
0x42: {  	[spmem:s22] =	stream.linear.scatter [tilespmem:s31], [sflag:$0x3], $0x2800, $0x38;
	[tilespmem:$0x1B280] =	vst v63  }
0x43: {  	_ =	swait.ge [sflag:s0], $0x2800  }
0x44: {  	[sflag:s0] =	ssyncset.done $0x0  }
0x45: {  	[sflag:s0] =	ssyncadd.s32 $0xFFFFD800  }
0x46: {  	[spmem:s23] =	stream.linear.scatter [tilespmem:s31], [sflag:$0x3], $0x2800, $0x38;
	[tilespmem:$0x1B280] =	vst v63  }
0x47: {  	_ =	swait.ge [sflag:s0], $0x2800  }
0x48: {  	[sflag:s0] =	ssyncset.done $0x0  }
0x49: {  	[sflag:s0] =	ssyncadd.s32 $0xFFFFD800  }
0x4a: {  	[spmem:s19] =	stream.linear.scatter [tilespmem:s31], [sflag:$0x3], $0x2000, $0x38;
	[tilespmem:$0x1B280] =	vst v63  }
0x4b: {  	_ =	swait.ge [sflag:s0], $0x2000  }
0x4c: {  	[sflag:s0] =	ssyncset.done $0x0  }
0x4d: {  	s11 =	simm.s32 @!p0 $0x13880;
	[sflag:s0] =	ssyncadd.s32 $0xFFFFE000  }
0x4e: {  	[spmem:s21] =	stream.linear.scatter @!p0 [tilespmem:s11], [sflag:$0x3], $0x800, $0x38;
	[tilespmem:$0x1B280] =	vst v63  }
0x4f: {  	s11 =	simm.s32 @!p0 $0x3  }
0x50: {  	_ =	swait.ge @!p0 [sflag:s11], $0x800  }
0x51: {  	[sflag:s11] =	ssyncset.done @!p0 $0x0  }
0x52: {  	s20 =	smov.u32 s19;
	s22 =	smov.u32 s21;
	[sflag:s11] =	ssyncadd.s32 @!p0 $0xFFFFF800  }
0x53: {  	s21 =	simm.s32 $0x0;
	s11 =	simm.s32 $0x0;
	[bflag:$0x0] =	sbarrier.arrive $0xFFFF  }
.LBB2_4:
0x54: {  	s12 =	smul.u32 $0x50, s11;
	_ =	sdelay $0x1  }
0x55: {  	s12 =	sadd.s32 s9, s12  }
0x56: {  	s17 =	sshrl.u32 s12, $0x3  }
0x57: {  	s18 =	sadd.s32 s7, s17  }
0x58: {  	[tilespmem:s4], [sflag:$0x3] =	stream.linear.gather [hbm4b:s18+s21], $0x50, $0x38;
	[tilespmem:$0x1B280] =	vst v63  }
0x59: {  	_ =	swait.ge [sflag:s0], $0x50  }
0x5a: {  	[sflag:s0] =	ssyncset.done $0x0  }
0x5b: {  	s17 =	sadd.s32 s8, s17;
	[sflag:s0] =	ssyncadd.s32 $0xFFFFFFB0  }
0x5c: {  	[tilespmem:s13], [sflag:$0x3] =	stream.linear.gather [hbm4b:s17+s21], $0x50, $0x38;
	[tilespmem:$0x1B280] =	vst v63  }
0x5d: {  	_ =	swait.ge [sflag:s0], $0x50  }
0x5e: {  	[sflag:s0] =	ssyncset.done $0x0  }
0x5f: {  	[sflag:s0] =	ssyncadd.s32 $0xFFFFFFB0  }
0x60: {  	v2 =	vld [tilespmem:$0x1B080]  }
0x61: {  	v3 =	vld [tilespmem:$0x1B100]  }
0x62: {  	v4 =	vld [tilespmem:$0x1B090]  }
0x63: {  	v5 =	vld [tilespmem:$0x1B110]  }
0x64: {  	v6 =	vld [tilespmem:$0x1B0A0]  }
0x65: {  	v7 =	vld [tilespmem:$0x1B120];
	v2 =	vadd.s32 v0, v2  }
0x66: {  	[tilespmem:$0x1B180] =	vst v2;
	v2 =	vadd.s32 v0, v3;
	v3 =	vld [tilespmem:$0x1B0B0]  }
0x67: {  	[tilespmem:$0x1B200] =	vst v2;
	v2 =	vadd.s32 v0, v4;
	v4 =	vld [tilespmem:$0x1B130]  }
0x68: {  	[tilespmem:$0x1B190] =	vst v2;
	v2 =	vadd.s32 v0, v5;
	v5 =	vld [tilespmem:$0x1B0C0]  }
0x69: {  	[tilespmem:$0x1B210] =	vst v2;
	v2 =	vadd.s32 v0, v6;
	v6 =	vld [tilespmem:$0x1B140]  }
0x6a: {  	[tilespmem:$0x1B1A0] =	vst v2;
	v2 =	vadd.s32 v0, v7  }
0x6b: {  	[tilespmem:$0x1B220] =	vst v2;
	v2 =	vadd.s32 v0, v3  }
0x6c: {  	[tilespmem:$0x1B1B0] =	vst v2;
	v2 =	vadd.s32 v0, v4  }
0x6d: {  	[tilespmem:$0x1B230] =	vst v2;
	v2 =	vadd.s32 v0, v5  }
0x6e: {  	[tilespmem:$0x1B1C0] =	vst v2;
	v2 =	vadd.s32 v0, v6  }
0x6f: {  	s12 =	sadd.s32 s10, s12;
	[tilespmem:$0x1B240] =	vst v2  }
0x70: {  	[tilespmem:s31], [sflag:$0x1] =	stream.indirect.gather [hbm4b:s1+s14], $0x80, s15, s14, $0xb8;
	[tilespmem:$0x1B280] =	vst v63  }
0x71: {  	s12 =	sshll.u32 s12, $0x4  }
0x72: {  	[tilespmem:s25], [sflag:$0x2] =	stream.indirect.gather [hbm4b:s5+s14], $0x80, s24, s14, $0xb8;
	[tilespmem:$0x1B280] =	vst v63  }
0x73: {  	s12 =	sadd.s32 s6, s12  }
0x74: {  	[tilespmem:s26], [sflag:$0x3] =	stream.linear.gather [hbm4b:s12+s21], $0x2800, $0x38;
	[tilespmem:$0x1B280] =	vst v63  }
0x75: {  	_ =	swait.ge [sflag:s0], $0x2800  }
0x76: {  	[sflag:s0] =	ssyncset.done $0x0  }
0x77: {  	[sflag:s0] =	ssyncadd.s32 $0xFFFFD800  }
0x78: {  	_ =	swait.ge [sflag:s28], $0x2800  }
0x79: {  	[sflag:s28] =	ssyncset.done $0x0  }
0x7a: {  	[sflag:s28] =	ssyncadd.s32 $0xFFFFD800  }
0x7b: {  	_ =	swait.ge [sflag:s29], $0x2800  }
0x7c: {  	[sflag:s29] =	ssyncset.done $0x0  }
0x7d: {  	s12 =	simm.s32 $0x0;
	[sflag:s29] =	ssyncadd.s32 $0xFFFFD800  }
0x7e: {  	v2 =	vld [tilespmem:s12+$0x188D0]  }
0x7f: {  	v3 =	vld [tilespmem:s12+$0x188B0]  }
0x80: {  	v7 =	vld [tilespmem:s12+$0x160D0]  }
0x81: {  	v4 =	vld [tilespmem:s12+$0x160C0]  }
0x82: {  	v5 =	vld [tilespmem:s12+$0x160B0]  }
0x83: {  	v6 =	vld [tilespmem:s12+$0x138B0]  }
0x84: {  	v10 =	vld [tilespmem:s12+$0x160F0]  }
0x85: {  	v8 =	vld [tilespmem:s12+$0x16090]  }
0x86: {  	v9 =	vld [tilespmem:s12+$0x16080]  }
0x87: {  	v11 =	vld [tilespmem:s12+$0x160A0]  }
0x88: {  	v12 =	vld [tilespmem:s12+$0x138A0]  }
0x89: {  	v5 =	vadd.f32 v5, v6;
	v6 =	vld [tilespmem:s12+$0x138C0]  }
0x8a: {  	v13 =	vld [tilespmem:s12+$0x188C0]  }
0x8b: {  	v14 =	vld [tilespmem:s12+$0x18890]  }
0x8c: {  	v5 =	vadd.f32 v3, v5;
	v3 =	vld [tilespmem:s12+$0x188A0]  }
0x8d: {  	v16 =	vld [tilespmem:s12+$0x13890]  }
0x8e: {  	v17 =	vld [tilespmem:s12+$0x138D0];
	v15 =	vsub.f32 $0.0e+00, v5;
	v4 =	vadd.f32 v4, v6  }
0x8f: {  	v63 =	vld [tilespmem:s12+$0x138F0];
	v11 =	vadd.f32 v11, v12  }
0x90: {  	v12 =	vld [tilespmem:s12+$0x160E0];
	v15 =	vmul.f32 $1.442695020e+00, v15;
	v6 =	vadd.f32 v13, v4  }
0x91: {  	v13 =	vld [tilespmem:s12+$0x13880];
	v4 =	vadd.f32 v3, v11  }
0x92: {  	v3 =	vld [tilespmem:s12+$0x138E0];
	(erf) = vpow2.f32 v15;
	v11 =	vsub.f32 $0.0e+00, v6  }
0x93: {  	v8 =	vadd.f32 v8, v16;
	v15 =	vld [tilespmem:s12+$0x18880];
	v18 =	vsub.f32 $0.0e+00, v4  }
0x94: {  	v62 =	vld [tilespmem:s12+$0x188E0];
	v7 =	vadd.f32 v7, v17;
	v11 =	vmul.f32 $1.442695020e+00, v11  }
0x95: {  	v8 =	vadd.f32 v14, v8;
	v18 =	vmul.f32 $1.442695020e+00, v18  }
0x96: {  	(erf) = vpow2.f32 v11;
	v11 =	vadd.f32 v9, v13;
	v9 =	vadd.f32 v2, v7;
	v2 =	vld [tilespmem:s12+$0x188F0]  }
0x97: {  	v3 =	vadd.f32 v12, v3;
	v13 =	vsub.f32 $0.0e+00, v8  }
0x98: {  	v10 =	vadd.f32 v10, v63;
	(erf) = vpow2.f32 v18;
	v7 =	vadd.f32 v15, v11  }
0x99: {  	v3 =	vadd.f32 v62, v3;
	v11 =	vsub.f32 $0.0e+00, v9  }
0x9a: {  	v12 =	vmul.f32 $1.442695020e+00, v13;
	v14 =	vsub.f32 $0.0e+00, v7  }
0x9b: {  	v15 =	vsub.f32 $0.0e+00, v3;
	v13 =	vpop (erf);
	v11 =	vmul.f32 $1.442695020e+00, v11;
	v2 =	vadd.f32 v2, v10  }
0x9c: {  	(erf) = vpow2.f32 v12;
	v13 =	vadd.f32 $1.000000000e+00, v13;
	v10 =	vmul.f32 $1.442695020e+00, v14  }
0x9d: {  	(erf) = vpow2.f32 v11;
	v12 =	vsub.f32 $0.0e+00, v2  }
0x9e: {  	v11 =	vmul.f32 $1.442695020e+00, v15;
	(erf) = vrcp.f32 v13  }
0x9f: {  	(erf) = vpow2.f32 v10  }
0xa0: {  	(erf) = vpow2.f32 v11;
	v10 =	vpop (erf)  }
0xa1: {  	s18 =	simm.s32 $0x200;
	s17 =	simm.s32 $0x400;
	v11 =	vmul.f32 $1.442695020e+00, v12;
	v10 =	vadd.f32 $1.000000000e+00, v10;
	v12 =	vpop (erf)  }
.LBB2_5:
0xa2: {  	p1 =	sne.s32 s17, $0x9E00  }
0xa3: {  	s19 =	sshra.s32 s18, $0x2;
	v12 =	vadd.f32 $1.000000000e+00, v12;
	(erf) = vpow2.f32 v11;
	s18 =	smov.u32 s17;
	s17 =	sadd.s32 $0x200, s17  }
0xa4: {  	v11 =	vld [tilespmem:s19+$0x188D0];
	(erf) = vrcp.f32 v10  }
0xa5: {  	v10 =	vld [tilespmem:s19+$0x188B0];
	v13 =	vpop (erf);
	(erf) = vrcp.f32 v12  }
0xa6: {  	v12 =	vld [tilespmem:s19+$0x160D0];
	v13 =	vadd.f32 $1.000000000e+00, v13;
	v14 =	vpop (erf)  }
0xa7: {  	v15 =	vld [tilespmem:s19+$0x160C0];
	v18 =	vadd.f32 $1.000000000e+00, v14;
	v16 =	vpop (erf)  }
0xa8: {  	v17 =	vld [tilespmem:s19+$0x160F0];
	v5 =	vmul.f32 v16, v5;
	v16 =	vpop (erf);
	(erf) = vrcp.f32 v13  }
0xa9: {  	v13 =	vld [tilespmem:s19+$0x160B0];
	v16 =	vadd.f32 $1.000000000e+00, v16;
	(erf) = vrcp.f32 v18;
	v14 =	vpop (erf)  }
0xaa: {  	v18 =	vld [tilespmem:s19+$0x16090];
	[tilespmem:s12+$0x138B0] =	vst v5;
	v20 =	vadd.f32 $1.000000000e+00, v14  }
0xab: {  	v14 =	vld [tilespmem:s19+$0x138B0];
	(erf) = vrcp.f32 v16  }
0xac: {  	v16 =	vld [tilespmem:s19+$0x16080];
	(erf) = vrcp.f32 v20;
	v5 =	vpop (erf)  }
0xad: {  	v5 =	vadd.f32 $1.000000000e+00, v5;
	v19 =	vpop (erf)  }
0xae: {  	v6 =	vmul.f32 v19, v6;
	v19 =	vpop (erf)  }
0xaf: {  	v20 =	vld [tilespmem:s19+$0x188C0];
	v21 =	vmul.f32 v19, v4;
	(erf) = vrcp.f32 v5  }
0xb0: {  	v19 =	vld [tilespmem:s19+$0x160A0];
	v5 =	vadd.f32 v13, v14;
	[tilespmem:s12+$0x138C0] =	vst v6  }
0xb1: {  	v6 =	vld [tilespmem:s19+$0x138C0];
	[tilespmem:s12+$0x138A0] =	vst v21;
	v4 =	vpop (erf)  }
0xb2: {  	v13 =	vld [tilespmem:s19+$0x138A0];
	v5 =	vadd.f32 v10, v5;
	v21 =	vmul.f32 v4, v8;
	v8 =	vpop (erf)  }
0xb3: {  	v10 =	vld [tilespmem:s19+$0x18890];
	v8 =	vmul.f32 v8, v9  }
0xb4: {  	v9 =	vld [tilespmem:s19+$0x188A0];
	v14 =	vsub.f32 $0.0e+00, v5;
	[tilespmem:s12+$0x13890] =	vst v21;
	v4 =	vpop (erf)  }
0xb5: {  	v21 =	vld [tilespmem:s19+$0x13890];
	v4 =	vmul.f32 v4, v7;
	[tilespmem:s12+$0x138D0] =	vst v8;
	v7 =	vpop (erf)  }
0xb6: {  	v8 =	vmul.f32 $1.442695020e+00, v14;
	v6 =	vadd.f32 v15, v6;
	v14 =	vld [tilespmem:s19+$0x138D0];
	v22 =	vmul.f32 v7, v3  }
0xb7: {  	v7 =	vadd.f32 v19, v13;
	v13 =	vld [tilespmem:s19+$0x160E0];
	[tilespmem:s12+$0x13880] =	vst v4  }
0xb8: {  	v15 =	vld [tilespmem:s19+$0x13880];
	v6 =	vadd.f32 v20, v6;
	(erf) = vpow2.f32 v8;
	[tilespmem:s12+$0x138E0] =	vst v22;
	v3 =	vpop (erf)  }
0xb9: {  	v4 =	vadd.f32 v9, v7;
	v7 =	vld [tilespmem:s19+$0x138E0];
	v2 =	vmul.f32 v3, v2  }
0xba: {  	v3 =	vld [tilespmem:s19+$0x18880];
	v8 =	vadd.f32 v18, v21;
	v9 =	vsub.f32 $0.0e+00, v6  }
0xbb: {  	v18 =	vsub.f32 $0.0e+00, v4;
	v12 =	vadd.f32 v12, v14;
	v14 =	vld [tilespmem:s19+$0x188E0];
	[tilespmem:s12+$0x138F0] =	vst v2;
	s12 =	smov.u32 s19  }
0xbc: {  	v8 =	vadd.f32 v10, v8;
	v2 =	vmul.f32 $1.442695020e+00, v9;
	v10 =	vld [tilespmem:s12+$0x138F0]  }
0xbd: {  	v15 =	vadd.f32 v16, v15;
	v16 =	vmul.f32 $1.442695020e+00, v18;
	v9 =	vadd.f32 v11, v12;
	v11 =	vld [tilespmem:s12+$0x188F0]  }
0xbe: {  	v12 =	vsub.f32 $0.0e+00, v8;
	v13 =	vadd.f32 v13, v7;
	(erf) = vpow2.f32 v2  }
0xbf: {  	v7 =	vadd.f32 v3, v15;
	v2 =	vsub.f32 $0.0e+00, v9;
	(erf) = vpow2.f32 v16  }
0xc0: {  	v12 =	vmul.f32 $1.442695020e+00, v12;
	v3 =	vadd.f32 v14, v13  }
0xc1: {  	v13 =	vsub.f32 $0.0e+00, v7;
	v14 =	vmul.f32 $1.442695020e+00, v2;
	v2 =	vadd.f32 v17, v10;
	v10 =	vpop (erf)  }
0xc2: {  	v10 =	vadd.f32 $1.000000000e+00, v10;
	v15 =	vsub.f32 $0.0e+00, v3;
	(erf) = vpow2.f32 v12  }
0xc3: {  	v12 =	vmul.f32 $1.442695020e+00, v13;
	v2 =	vadd.f32 v11, v2;
	(erf) = vpow2.f32 v14  }
.Ltmp1:
0xc4: {  	v11 =	vmul.f32 $1.442695020e+00, v15;
	(erf) = vrcp.f32 v10;
	(pc) =	sbr.rel @p1 .LBB2_5-.Ltmp1, $4  }
0xc5: {  	v13 =	vsub.f32 $0.0e+00, v2;
	(erf) = vpow2.f32 v12  }
0xc6: {  	(erf) = vpow2.f32 v11  }
0xc7: {  	v11 =	vmul.f32 $1.442695020e+00, v13;
	v10 =	vpop (erf)  }
0xc8: {  	v10 =	vadd.f32 $1.000000000e+00, v10;
	v12 =	vpop (erf)  }
0xc9: {  	(erf) = vpow2.f32 v11;
	v44 =	vadd.f32 $1.000000000e+00, v12  }
0xca: {  	(erf) = vrcp.f32 v10  }
0xcb: {  	s17 =	sshra.s32 s18, $0x2;
	v13 =	vpop (erf);
	(erf) = vrcp.f32 v44  }
0xcc: {  	v45 =	vld [tilespmem:s17+$0x188D0];
	v14 =	vpop (erf);
	v13 =	vadd.f32 $1.000000000e+00, v13  }
0xcd: {  	v46 =	vld [tilespmem:s17+$0x188B0];
	v16 =	vpop (erf);
	v14 =	vadd.f32 $1.000000000e+00, v14  }
0xce: {  	v47 =	vld [tilespmem:s17+$0x160D0];
	v18 =	vpop (erf);
	(erf) = vrcp.f32 v13  }
0xcf: {  	v15 =	vld [tilespmem:s17+$0x160C0];
	v19 =	vpop (erf);
	(erf) = vrcp.f32 v14;
	v18 =	vadd.f32 $1.000000000e+00, v18  }
0xd0: {  	v17 =	vld [tilespmem:s17+$0x160F0];
	v5 =	vmul.f32 v16, v5;
	v19 =	vadd.f32 $1.000000000e+00, v19  }
0xd1: {  	v48 =	vld [tilespmem:s17+$0x160B0];
	(erf) = vrcp.f32 v18  }
0xd2: {  	v49 =	vld [tilespmem:s17+$0x16090];
	[tilespmem:s12+$0x138B0] =	vst v5;
	v50 =	vpop (erf);
	(erf) = vrcp.f32 v19  }
0xd3: {  	v5 =	vld [tilespmem:s17+$0x138B0];
	v21 =	vpop (erf);
	v53 =	vadd.f32 $1.000000000e+00, v50  }
0xd4: {  	v20 =	vld [tilespmem:s17+$0x16080];
	v6 =	vmul.f32 v21, v6;
	v52 =	vpop (erf)  }
0xd5: {  	v51 =	vld [tilespmem:s17+$0x188C0];
	v4 =	vmul.f32 v52, v4;
	(erf) = vrcp.f32 v53  }
0xd6: {  	v22 =	vld [tilespmem:s17+$0x160A0];
	[tilespmem:s12+$0x138C0] =	vst v6  }
0xd7: {  	v6 =	vld [tilespmem:s17+$0x138C0];
	[tilespmem:s12+$0x138A0] =	vst v4;
	v54 =	vpop (erf)  }
0xd8: {  	v5 =	vadd.f32 v48, v5;
	v55 =	vld [tilespmem:s17+$0x138A0];
	v8 =	vmul.f32 v54, v8;
	v57 =	vpop (erf)  }
0xd9: {  	v56 =	vld [tilespmem:s17+$0x18890];
	v4 =	vmul.f32 v57, v9  }
0xda: {  	v58 =	vld [tilespmem:s17+$0x188A0];
	v5 =	vadd.f32 v46, v5;
	[tilespmem:s12+$0x13890] =	vst v8;
	v59 =	vpop (erf)  }
0xdb: {  	v8 =	vld [tilespmem:s17+$0x13890];
	[tilespmem:s12+$0x138D0] =	vst v4;
	v60 =	vmul.f32 v59, v7;
	v62 =	vpop (erf)  }
0xdc: {  	v23 =	vsub.f32 $0.0e+00, v5;
	v61 =	vld [tilespmem:s17+$0x138D0];
	v3 =	vmul.f32 v62, v3  }
0xdd: {  	v63 =	vld [tilespmem:s17+$0x160E0];
	[tilespmem:s12+$0x13880] =	vst v60  }
0xde: {  	v25 =	vadd.f32 v15, v6;
	v24 =	vld [tilespmem:s17+$0x13880];
	[tilespmem:s12+$0x138E0] =	vst v3;
	v3 =	vmul.f32 $1.442695020e+00, v23;
	v26 =	vpop (erf)  }
0xdf: {  	v27 =	vld [tilespmem:s17+$0x138E0];
	v2 =	vmul.f32 v26, v2  }
0xe0: {  	v29 =	vadd.f32 v22, v55;
	v4 =	vadd.f32 v51, v25;
	v28 =	vld [tilespmem:s17+$0x18880];
	(erf) = vpow2.f32 v3  }
0xe1: {  	v3 =	vld [tilespmem:s17+$0x188E0];
	v8 =	vadd.f32 v49, v8;
	[tilespmem:s12+$0x138F0] =	vst v2  }
0xe2: {  	v30 =	vsub.f32 $0.0e+00, v4;
	v2 =	vadd.f32 v58, v29;
	v31 =	vld [tilespmem:s17+$0x138F0]  }
0xe3: {  	v7 =	vadd.f32 v47, v61;
	v8 =	vadd.f32 v56, v8  }
0xe4: {  	v33 =	vld [tilespmem:s17+$0x188F0];
	v32 =	vsub.f32 $0.0e+00, v2;
	v9 =	vadd.f32 v20, v24  }
0xe5: {  	v13 =	vmul.f32 $1.442695020e+00, v30;
	v7 =	vadd.f32 v45, v7;
	v34 =	vsub.f32 $0.0e+00, v8  }
0xe6: {  	v10 =	vadd.f32 v63, v27;
	v11 =	vmul.f32 $1.442695020e+00, v32;
	v6 =	vadd.f32 v28, v9  }
0xe7: {  	(erf) = vpow2.f32 v13;
	v35 =	vsub.f32 $0.0e+00, v7;
	v36 =	vadd.f32 v17, v31  }
0xe8: {  	v37 =	vmul.f32 $1.442695020e+00, v34;
	v3 =	vadd.f32 v3, v10;
	(erf) = vpow2.f32 v11  }
0xe9: {  	v38 =	vsub.f32 $0.0e+00, v6;
	v9 =	vmul.f32 $1.442695020e+00, v35;
	v39 =	vpop (erf);
	v13 =	vadd.f32 v33, v36  }
0xea: {  	v40 =	vsub.f32 $0.0e+00, v3;
	(erf) = vpow2.f32 v37;
	v12 =	vadd.f32 $1.000000000e+00, v39  }
0xeb: {  	v10 =	vmul.f32 $1.442695020e+00, v38;
	(erf) = vpow2.f32 v9;
	v41 =	vsub.f32 $0.0e+00, v13  }
0xec: {  	v42 =	vmul.f32 $1.442695020e+00, v40;
	(erf) = vrcp.f32 v12  }
0xed: {  	(erf) = vpow2.f32 v10;
	v9 =	vmul.f32 $1.442695020e+00, v41  }
0xee: {  	(erf) = vpow2.f32 v42  }
0xef: {  	(erf) = vpow2.f32 v9;
	_ =	sdelay $0x1  }
0xf0: {  	v43 =	vpop (erf)  }
0xf1: {  	v44 =	vpop (erf)  }
0xf2: {  	v9 =	vadd.f32 $1.000000000e+00, v43;
	v45 =	vpop (erf)  }
0xf3: {  	v10 =	vadd.f32 $1.000000000e+00, v44;
	v46 =	vpop (erf)  }
0xf4: {  	(erf) = vrcp.f32 v9;
	v47 =	vadd.f32 $1.000000000e+00, v45;
	v48 =	vpop (erf)  }
0xf5: {  	(erf) = vrcp.f32 v10;
	v49 =	vadd.f32 $1.000000000e+00, v46;
	v50 =	vpop (erf)  }
0xf6: {  	(erf) = vrcp.f32 v47;
	v51 =	vadd.f32 $1.000000000e+00, v50;
	v52 =	vpop (erf)  }
0xf7: {  	(erf) = vrcp.f32 v49;
	v53 =	vadd.f32 $1.000000000e+00, v52;
	v54 =	vpop (erf)  }
0xf8: {  	(erf) = vrcp.f32 v51;
	v55 =	vadd.f32 $1.000000000e+00, v54  }
0xf9: {  	(erf) = vrcp.f32 v53  }
0xfa: {  	(erf) = vrcp.f32 v55;
	_ =	sdelay $0x2  }
0xfb: {  	v5 =	vmul.f32 v48, v5;
	v56 =	vpop (erf)  }
0xfc: {  	v4 =	vmul.f32 v56, v4;
	v57 =	vpop (erf)  }
0xfd: {  	[tilespmem:s17+$0x138B0] =	vst v5;
	v2 =	vmul.f32 v57, v2;
	v58 =	vpop (erf)  }
0xfe: {  	[tilespmem:s17+$0x138C0] =	vst v4;
	v59 =	vmul.f32 v58, v8;
	v60 =	vpop (erf)  }
0xff: {  	[tilespmem:s17+$0x138A0] =	vst v2;
	v2 =	vmul.f32 v60, v7;
	v61 =	vpop (erf)  }
0x100: {  	[tilespmem:s17+$0x13890] =	vst v59;
	v62 =	vmul.f32 v61, v6;
	v63 =	vpop (erf)  }
0x101: {  	[tilespmem:s17+$0x138D0] =	vst v2;
	v2 =	vmul.f32 v63, v3;
	v3 =	vpop (erf)  }
0x102: {  	s11 =	sadd.s32 $0x1, s11;
	[tilespmem:s17+$0x13880] =	vst v62;
	v3 =	vmul.f32 v3, v13  }
0x103: {  	p1 =	sne.s32 s11, $0x7D;
	[tilespmem:s17+$0x138E0] =	vst v2  }
.Ltmp2:
0x104: {  	[tilespmem:s17+$0x138F0] =	vst v3;
	(pc) =	sbr.rel @p1 .LBB2_4-.Ltmp2, $4  }
0x105: {  	[spmem:s2] =	stream.indirect.scatter.add.f32 [tilespmem:s31], [sflag:$0x3], $0x80, s13, s14, $0xb8;
	[tilespmem:$0x1B280] =	vst v63  }
0x106: {  	_ =	swait.ge [sflag:s0], $0x2800  }
0x107: {  	[sflag:s0] =	ssyncset.done $0x0  }
0x108: {  	[sflag:s0] =	ssyncadd.s32 $0xFFFFD800  }
0x109: {  	[bflag:$0x0] =	sbarrier.arrive $0xFFFF  }
0x10a: {  	[tilespmem:s31], [sflag:$0x3] =	stream.linear.gather [spmem:s16], $0x2800, $0x38;
	[tilespmem:$0x1B280] =	vst v63  }
0x10b: {  	_ =	swait.ge [sflag:s0], $0x2800  }
0x10c: {  	[sflag:s0] =	ssyncset.done $0x0  }
0x10d: {  	s11 =	rddreg [dreg:$0xb];
	[sflag:s0] =	ssyncadd.s32 $0xFFFFD800  }
0x10e: {  	[hbm4b:s11+s3] =	stream.linear.scatter [tilespmem:s31], [sflag:$0x3], $0x2800, $0x38;
	[tilespmem:$0x1B280] =	vst v63  }
0x10f: {  	_ =	swait.ge [sflag:s0], $0x2800  }
0x110: {  	[sflag:s0] =	ssyncset.done $0x0  }
0x111: {  	s19 =	rddreg [dreg:$0x7];
	[sflag:s0] =	ssyncadd.s32 $0xFFFFD800  }
0x112: {  	[tilespmem:s31], [sflag:$0x3] =	stream.linear.gather [spmem:s19], $0x2800, $0x38;
	[tilespmem:$0x1B280] =	vst v63  }
0x113: {  	_ =	swait.ge [sflag:s0], $0x2800  }
0x114: {  	[sflag:s0] =	ssyncset.done $0x0  }
0x115: {  	s21 =	rddreg [dreg:$0xd];
	[sflag:s0] =	ssyncadd.s32 $0xFFFFD800  }
0x116: {  	[hbm4b:s21+s3] =	stream.linear.scatter [tilespmem:s31], [sflag:$0x3], $0x2800, $0x38;
	[tilespmem:$0x1B280] =	vst v63  }
0x117: {  	_ =	swait.ge [sflag:s0], $0x2800  }
0x118: {  	[sflag:s0] =	ssyncset.done $0x0  }
0x119: {  	s12 =	rddreg [dreg:$0x8];
	[sflag:s0] =	ssyncadd.s32 $0xFFFFD800  }
0x11a: {  	[tilespmem:s31], [sflag:$0x3] =	stream.linear.gather [spmem:s12], $0x2800, $0x38;
	[tilespmem:$0x1B280] =	vst v63  }
0x11b: {  	_ =	swait.ge [sflag:s0], $0x2800  }
0x11c: {  	[sflag:s0] =	ssyncset.done $0x0  }
0x11d: {  	s17 =	rddreg [dreg:$0xe];
	[sflag:s0] =	ssyncadd.s32 $0xFFFFD800  }
0x11e: {  	[hbm4b:s17+s3] =	stream.linear.scatter [tilespmem:s31], [sflag:$0x3], $0x2800, $0x38;
	[tilespmem:$0x1B280] =	vst v63  }
0x11f: {  	_ =	swait.ge [sflag:s0], $0x2800  }
0x120: {  	[sflag:s0] =	ssyncset.done $0x0  }
0x121: {  	s18 =	rddreg [dreg:$0x9];
	[sflag:s0] =	ssyncadd.s32 $0xFFFFD800  }
0x122: {  	[tilespmem:s31], [sflag:$0x3] =	stream.linear.gather [spmem:s18], $0x2800, $0x38;
	[tilespmem:$0x1B280] =	vst v63  }
0x123: {  	_ =	swait.ge [sflag:s0], $0x2800  }
0x124: {  	[sflag:s0] =	ssyncset.done $0x0  }
0x125: {  	s19 =	rddreg [dreg:$0xf];
	[sflag:s0] =	ssyncadd.s32 $0xFFFFD800  }
0x126: {  	[hbm4b:s19+s3] =	stream.linear.scatter [tilespmem:s31], [sflag:$0x3], $0x2800, $0x38;
	[tilespmem:$0x1B280] =	vst v63  }
0x127: {  	_ =	swait.ge [sflag:s0], $0x2800  }
0x128: {  	[sflag:s0] =	ssyncset.done $0x0  }
0x129: {  	s21 =	rddreg [dreg:$0xa];
	[sflag:s0] =	ssyncadd.s32 $0xFFFFD800  }
0x12a: {  	[tilespmem:s31], [sflag:$0x3] =	stream.linear.gather [spmem:s21], $0x2800, $0x38;
	[tilespmem:$0x1B280] =	vst v63  }
0x12b: {  	_ =	swait.ge [sflag:s0], $0x2800  }
0x12c: {  	[sflag:s0] =	ssyncset.done $0x0  }
0x12d: {  	s12 =	rddreg [dreg:$0x10];
	[sflag:s0] =	ssyncadd.s32 $0xFFFFD800  }
0x12e: {  	[hbm4b:s12+s3] =	stream.linear.scatter [tilespmem:s31], [sflag:$0x3], $0x2800, $0x38;
	[tilespmem:$0x1B280] =	vst v63  }
0x12f: {  	_ =	swait.ge [sflag:s0], $0x2800  }
0x130: {  	[sflag:s0] =	ssyncset.done $0x0  }
0x131: {  	s17 =	rddreg [dreg:$0xc];
	[sflag:s0] =	ssyncadd.s32 $0xFFFFD800  }
0x132: {  	[tilespmem:s31], [sflag:$0x3] =	stream.linear.gather [spmem:s17], $0x2800, $0x38;
	[tilespmem:$0x1B280] =	vst v63  }
0x133: {  	_ =	swait.ge [sflag:s0], $0x2800  }
0x134: {  	[sflag:s0] =	ssyncset.done $0x0  }
0x135: {  	s18 =	rddreg [dreg:$0x11];
	[sflag:s0] =	ssyncadd.s32 $0xFFFFD800  }
0x136: {  	[hbm4b:s18+s3] =	stream.linear.scatter [tilespmem:s31], [sflag:$0x3], $0x2800, $0x38;
	[tilespmem:$0x1B280] =	vst v63  }
0x137: {  	_ =	swait.ge [sflag:s0], $0x2800  }
0x138: {  	[sflag:s0] =	ssyncset.done $0x0  }
0x139: {  	[sflag:s0] =	ssyncadd.s32 $0xFFFFD800  }
0x13a: {  	[tilespmem:s31], [sflag:$0x3] =	stream.linear.gather [spmem:s23], $0x2800, $0x38;
	[tilespmem:$0x1B280] =	vst v63  }
0x13b: {  	_ =	swait.ge [sflag:s0], $0x2800  }
0x13c: {  	[sflag:s0] =	ssyncset.done $0x0  }
0x13d: {  	s19 =	rddreg [dreg:$0x12];
	[sflag:s0] =	ssyncadd.s32 $0xFFFFD800  }
0x13e: {  	[hbm4b:s19+s3] =	stream.linear.scatter [tilespmem:s31], [sflag:$0x3], $0x2800, $0x38;
	[tilespmem:$0x1B280] =	vst v63  }
0x13f: {  	_ =	swait.ge [sflag:s0], $0x2800  }
0x140: {  	[sflag:s0] =	ssyncset.done $0x0  }
0x141: {  	[sflag:s0] =	ssyncadd.s32 $0xFFFFD800  }
0x142: {  	[tilespmem:s31], [sflag:$0x3] =	stream.linear.gather [spmem:s20], $0x2000, $0x38;
	[tilespmem:$0x1B280] =	vst v63  }
0x143: {  	_ =	swait.ge [sflag:s0], $0x2000  }
0x144: {  	[sflag:s0] =	ssyncset.done $0x0  }
0x145: {  	s21 =	rddreg [dreg:$0x4];
	[sflag:s0] =	ssyncadd.s32 $0xFFFFE000  }
0x146: {  	[hbm4b:s21+s3] =	stream.linear.scatter [tilespmem:s31], [sflag:$0x3], $0x2000, $0x38;
	[tilespmem:$0x1B280] =	vst v63  }
0x147: {  	_ =	swait.ge [sflag:s0], $0x2000  }
0x148: {  	[sflag:s0] =	ssyncset.done $0x0  }
0x149: {  	s11 =	simm.s32 @!p0 $0x13880;
	s12 =	simm.s32 @!p0 $0x3;
	[sflag:s0] =	ssyncadd.s32 $0xFFFFE000  }
0x14a: {  	[tilespmem:s11], [sflag:$0x3] =	stream.linear.gather @!p0 [spmem:s22], $0x800, $0x38;
	[tilespmem:$0x1B280] =	vst v63  }
0x14b: {  	_ =	swait.ge @!p0 [sflag:s12], $0x800  }
0x14c: {  	[sflag:s12] =	ssyncset.done @!p0 $0x0  }
0x14d: {  	s17 =	simm.s32 @!p0 $0x0;
	s18 =	rddreg [dreg:$0x5];
	[sflag:s12] =	ssyncadd.s32 @!p0 $0xFFFFF800  }
0x14e: {  	[hbm4b:s18+s17] =	stream.linear.scatter @!p0 [tilespmem:s11], [sflag:$0x3], $0x800, $0x38;
	[tilespmem:$0x1B280] =	vst v63  }
0x14f: {  	_ =	swait.ge @!p0 [sflag:s12], $0x800  }
0x150: {  	s30 =	sadd.s32 $0x1, s30;
	s21 =	smov.u32 s22;
	s22 =	rddreg [dreg:$0x6]  }
0x151: {  	p1 =	sne.s32 s30, s22  }
.Ltmp3:
0x152: {  	_ = 	snop;
	(pc) =	sbr.rel @p1 .LBB2_1-.Ltmp3, $3  }
0x153: {  	_ =	sdelay $0x1  }
0x154: {  	[sflag:s12] =	ssyncset.done @!p0 $0x0  }
0x155: {  	s19 =	smov.u32 s20;
	[sflag:s12] =	ssyncadd.s32 @!p0 $0xFFFFF800  }
0x156: {  	_ =	sfence.sel $0x180000  }
0x157: {  	[bflag:$0x0] =	sbarrier.arrive $0xFFFF  }
0x158: {  	_ =	strace $0x90000047  }
0x159: {  	s0 =	stileid.u32;
	[bflag:$0x2] =	sbarrier.arrive $0xFFFF  }
0x15a: {  	p0 =	sne.s32 s0, $0x0;
	s0 =	rddreg [dreg:$0x3]  }
0x15b: {  	s0 =	sadd.s32 @!p0 $0x100000, s0  }
0x15c: {  	[sflag:s0] =	ssyncadd.tile.s32 @!p0 $0x1;
	_ =	shalt  }
.Lfunc_end2:
_tile_overlayer_lowered:
.L_overlay_start_2:
0x15d: {  	(tag) =	ssettag $0x2  }
0x15e: {  	s0 =	rddreg [dreg:$0x0];
	s2 =	stileid.u32  }
0x15f: {  	s1 =	rddreg [dreg:$0x1];
	p0 =	sne.s32 s2, $0x0  }
0x160: {  	s3 =	rddreg [dreg:$0x2];
	[bflag:$0x3] =	sbarrier.arrive $0xFFFF;
	s2 =	simm.s32 @!p0 $0x1C03  }
0x161: {  	[timem:s3], [sflag:s2] =	dma.local @!p0 [hbm:s0], s1  }
0x162: {  	s0 =	simm.s32 @!p0 $0x3  }
0x163: {  	_ =	swait.ge @!p0 [sflag:s0], s1  }
0x164: {  	s1 =	ssub.s32 @!p0 $0x0, s1;
	[sflag:s0] =	ssyncset.done @!p0 $0x0  }
0x165: {  	[sflag:s0] =	ssyncadd.s32 @!p0 s1  }
0x166: {  	[bflag:$0x3] =	sbarrier.arrive $0xFFFF  }
0x167: {  	_ =	shalt  }

// kernel: kernel.7.cloned.1.call-start
scs
__scs_entry_jumppad:
0x0: {  	(pc) =	sbr.rel $0x88, $3  }
0x1: {  	(tag) =	ssettag $0x0;
	lr =	simm.s32 $0x1  }
0x2: {  	[smem:$0x3F94] =	sst lr;
	_ =	strace $0xD0000000  }
0x3: {  	_ = 	snop  }
0x4: {  	_ = 	snop  }
0x5: {  	_ = 	snop  }
0x6: {  	_ = 	snop  }
0x7: {  	_ = 	snop  }
__scs_overlays_trampoline_lowered:
0x8: {  	[smem:$0x3FA3] =	sst s0  }
0x9: {  	[smem:$0x3FA4] =	sst s1  }
0xa: {  	[smem:$0x3FA5] =	sst s2  }
0xb: {  	[smem:$0x3FA6] =	sst s3  }
0xc: {  	[smem:$0x3FA7] =	sst s4  }
0xd: {  	[smem:$0x3FA8] =	sst s5  }
0xe: {  	[smem:$0x3FA9] =	sst s6  }
0xf: {  	[smem:$0x3FAA] =	sst s7  }
0x10: {  	[smem:$0x3FAB] =	sst s8  }
0x11: {  	[smem:$0x3FAC] =	sst s9;
	s0 =	simm.s32 @!p0 $0x0  }
0x12: {  	s1 =	sld [smem:$0x3F92];
	s0 =	simm.s32 @p0 $0x1  }
0x13: {  	[smem:$0x3FAD] =	sst s0;
	s0 =	simm.s32 @!p1 $0x0  }
0x14: {  	s2 =	sld [smem:$0x3F91];
	s0 =	simm.s32 @p1 $0x1  }
0x15: {  	[smem:$0x3FAE] =	sst s0;
	s0 =	simm.s32 @!p2 $0x0  }
0x16: {  	s3 =	sld [smem:$0x3FDB];
	s0 =	simm.s32 @p2 $0x1  }
0x17: {  	s4 =	simm.s32 $0x1BF5;
	[smem:$0x3FB0] =	sst s0  }
0x18: {  	s0 =	sld [smem:$0x3F93];
	_ =	swait.ge [sflag:s4], $0x0  }
0x19: {  	s7 =	sld [smem:$0x3F94]  }
0x1a: {  	s8 =	sadd.s32 $0xFFFFE003, lr  }
0x1b: {  	s9 =	sadd.s32 $0xFFFFFEF7, lr;
	s5 =	simm.s32 $0xFFFFFFFF;
	p2 =	slt.u32 s8, $0xFFFFF086  }
0x1c: {  	p1 =	slt.u32 s9, $0xF7A;
	s5 =	simm.s32 @!p2 $0x0  }
0x1d: {  	s5 =	simm.s32 @p1 $0x1;
	p0 =	seq.s32 s7, s2  }
0x1e: {  	s7 =	smul.u32 @!p0 $0xF7A, s2;
	p2 =	seq.s32 @!p0 s5, $0x0  }
0x1f: {  	s9 =	smul.u32 $0xF7A, s1;
	s8 =	simm.s32 @!p0 $0x1BF5;
	p2 =	por !p2, p0  }
0x20: {  	[sflag:s8] =	ssyncset.s32 @!p0 $0xFFFFF086;
	s6 =	sadd.s32 @!p0 s3, s7;
	s7 =	simm.s32 @!p0 $0x108  }
0x21: {  	s3 =	sadd.s32 s3, s9;
	s6 =	sadd.s32 @!p0 $0x88, s6;
	s7 =	simm.s32 @p2 $0x1082  }
0x22: {  	[simem:s7], [sflag:s8] =	dma.local @!p0 [hbm:s6], $0xF7A  }
0x23: {  	s9 =	sor.u32 $0xD0000000, s2;
	s6 =	simm.s32 $0x108;
	_ =	swait.ge @!p0 [sflag:s8], $0x0  }
0x24: {  	s3 =	sadd.s32 $0x88, s3;
	s6 =	simm.s32 @!p1 $0x1082;
	[sflag:s4] =	ssyncset.s32 $0xFFFFF086  }
0x25: {  	[simem:s6], [sflag:s4] =	dma.local [hbm:s3], $0xF7A  }
0x26: {  	[smem:$0x3F94] =	sst s1;
	(tag) =	ssettag s2;
	_ =	strace s9  }
0x27: {  	s1 =	sld [smem:$0x3FA4]  }
0x28: {  	s2 =	sld [smem:$0x3FA5]  }
0x29: {  	s4 =	sld [smem:$0x3FA7]  }
0x2a: {  	p0 =	seq.s32 s5, $0x0;
	s5 =	sld [smem:$0x3FA8]  }
0x2b: {  	s6 =	sld [smem:$0x3FA9]  }
0x2c: {  	s7 =	sld [smem:$0x3FAA]  }
0x2d: {  	s3 =	simm.s32 $0x108;
	s8 =	sld [smem:$0x3FAB]  }
0x2e: {  	s3 =	simm.s32 @!p0 $0x1082;
	s9 =	sld [smem:$0x3FAC]  }
0x2f: {  	lr =	sadd.s32 s0, s3;
	s0 =	sld [smem:$0x3FA3]  }
0x30: {  	s3 =	sld [smem:$0x3FA6]  }
0x31: {  	[smem:$0x3FAF] =	sst s10  }
0x32: {  	s10 =	sld [smem:$0x3FAD];
	_ =	sdelay $0x3  }
0x33: {  	p0 =	seq.s32 s10, $0x1;
	s10 =	sld [smem:$0x3FAF];
	_ =	sdelay $0x3  }
0x34: {  	[smem:$0x3FAF] =	sst s10  }
0x35: {  	s10 =	sld [smem:$0x3FAE];
	_ =	sdelay $0x3  }
0x36: {  	p1 =	seq.s32 s10, $0x1;
	s10 =	sld [smem:$0x3FAF];
	_ =	sdelay $0x3  }
0x37: {  	[smem:$0x3FAF] =	sst s10  }
0x38: {  	s10 =	sld [smem:$0x3FB0]  }
0x39: {  	_ = 	snop;
	(pc) =	sbr.ind lr, $3  }
0x3a: {  	_ = 	snop  }
0x3b: {  	_ = 	snop  }
0x3c: {  	p2 =	seq.s32 s10, $0x1;
	s10 =	sld [smem:$0x3FAF]  }
0x3d: {  	_ =	shalt  }
0x3e: {  	_ =	shalt  }
0x3f: {  	_ =	shalt  }
0x40: {  	_ =	shalt  }
0x41: {  	_ =	shalt  }
0x42: {  	_ =	shalt  }
0x43: {  	_ =	shalt  }
0x44: {  	_ =	shalt  }
0x45: {  	_ =	shalt  }
0x46: {  	_ =	shalt  }
0x47: {  	_ =	shalt  }
0x48: {  	_ =	shalt  }
0x49: {  	_ =	shalt  }
0x4a: {  	_ =	shalt  }
0x4b: {  	_ =	shalt  }
0x4c: {  	_ =	shalt  }
0x4d: {  	_ =	shalt  }
0x4e: {  	_ =	shalt  }
0x4f: {  	_ =	shalt  }
0x50: {  	_ =	shalt  }
0x51: {  	_ =	shalt  }
0x52: {  	_ =	shalt  }
0x53: {  	_ =	shalt  }
0x54: {  	_ =	shalt  }
0x55: {  	_ =	shalt  }
0x56: {  	_ =	shalt  }
0x57: {  	_ =	shalt  }
0x58: {  	_ =	shalt  }
0x59: {  	_ =	shalt  }
0x5a: {  	_ =	shalt  }
0x5b: {  	_ =	shalt  }
0x5c: {  	_ =	shalt  }
0x5d: {  	_ =	shalt  }
0x5e: {  	_ =	shalt  }
0x5f: {  	_ =	shalt  }
0x60: {  	_ =	shalt  }
0x61: {  	_ =	shalt  }
0x62: {  	_ =	shalt  }
0x63: {  	_ =	shalt  }
0x64: {  	_ =	shalt  }
0x65: {  	_ =	shalt  }
0x66: {  	_ =	shalt  }
0x67: {  	_ =	shalt  }
0x68: {  	_ =	shalt  }
0x69: {  	_ =	shalt  }
0x6a: {  	_ =	shalt  }
0x6b: {  	_ =	shalt  }
0x6c: {  	_ =	shalt  }
0x6d: {  	_ =	shalt  }
0x6e: {  	_ =	shalt  }
0x6f: {  	_ =	shalt  }
0x70: {  	_ =	shalt  }
0x71: {  	_ =	shalt  }
0x72: {  	_ =	shalt  }
0x73: {  	_ =	shalt  }
0x74: {  	_ =	shalt  }
0x75: {  	_ =	shalt  }
0x76: {  	_ =	shalt  }
0x77: {  	_ =	shalt  }
0x78: {  	_ =	shalt  }
0x79: {  	_ =	shalt  }
0x7a: {  	_ =	shalt  }
0x7b: {  	_ =	shalt  }
0x7c: {  	_ =	shalt  }
0x7d: {  	_ =	shalt  }
0x7e: {  	_ =	shalt  }
0x7f: {  	_ =	shalt  }
0x80: {  	_ =	shalt  }
0x81: {  	_ =	shalt  }
0x82: {  	_ =	shalt  }
0x83: {  	_ =	shalt  }
0x84: {  	_ =	shalt  }
0x85: {  	_ =	shalt  }
0x86: {  	_ =	shalt  }
0x87: {  	_ =	shalt  }
.Lfunc_end0:
.L_simem_size_0:
called_computation_lowered:
.L_overlay_start_0:
0x88: {  	s2 =	sld [smem:$0x3FD9]  }
0x89: {  	s3 =	sld [smem:$0x3FFE];
	_ =	sdelay $0x1  }
0x8a: {  	s1 =	srdreg.scid  }
0x8b: {  	s0 =	sand.u32 $0x1, s1  }
0x8c: {  	s17 =	sshll.u32 s0, $0xA;
	s2 =	sadd.s32 s3, s2  }
0x8d: {  	s2 =	sadd.s32 s2, s17  }
0x8e: {  	[smem:$0x3FBB] =	sst s2  }
0x8f: {  	_ = 	snop  }
0x90: {  	(tm) =	ssettm $0x1  }
0x91: {  	s18 =	sld [smem:$0x3FFB];
	_ =	sdelay $0x3  }
0x92: {  	_ =	strace s18  }
0x93: {  	s2 =	sld [smem:$0x3FFC];
	_ =	sdelay $0x3  }
0x94: {  	_ =	strace s2  }
0x95: {  	s2 =	sld [smem:$0x3FFD];
	_ =	sdelay $0x3  }
0x96: {  	_ =	strace s2  }
0x97: {  	_ =	strace $0x8FFFFFFF  }
0x98: {  	s19 =	sld [smem:$0x3FDB];
	_ =	sdelay $0x1  }
0x99: {  	s20 =	simm.s32 $_scs_section_size  }
0x9a: {  	s4 =	simm.s32 $_size__tile_overlayer_lowered;
	s5 =	simm.s32 $_tile_overlayer_lowered  }
0x9b: {  	s6 =	simm.s32 $0x1BFF;
	s21 =	sshll.u32 s5, $0x1;
	s3 =	sadd.s32 s20, s19  }
0x9c: {  	s22 =	simm.s32 $0x0;
	s4 =	sshll.u32 s4, $0x1;
	s5 =	sadd.s32 s21, s3  }
0x9d: {  	[timem:s22], [sflag:s6] =	dma.local [hbm:s5], s4  }
0x9e: {  	_ =	swait.ge [sflag:s6], s4  }
0x9f: {  	s4 =	ssub.s32 $0x0, s4;
	[sflag:s6] =	ssyncset.done $0x0  }
0xa0: {  	[sflag:s6] =	ssyncadd.s32 s4;
	_ =	sdelay $0x1  }
0xa1: {  	s23 =	simm.s32 $0x1B8B  }
0xa2: {  	_ =	swait.ge [sflag:s23], $0x1  }
0xa3: {  	[sflag:s23] =	ssyncset.done $0x0  }
0xa4: {  	[sflag:s23] =	ssyncadd.s32 $0xFFFFFFFF  }
0xa5: {  	s4 =	sld [smem:$0x0]  }
0xa6: {  	s5 =	sand.u32 $0xFFFFFFFE, s1  }
0xa7: {  	p0 =	sne.s32 s1, s5  }
0xa8: {  	s5 =	sshll.u32 @p0 s5, $0xE  }
0xa9: {  	s5 =	sadd.s32 @p0 $0x11B8D, s5;
	s6 =	sshll.u32 @p0 s4, $0x11  }
0xaa: {  	s5 =	sor.u32 @p0 s6, s5  }
0xab: {  	[sflag:s5] =	ssyncadd.remote.s32 @p0 $0x1;
	_ =	sdelay $0x1  }
0xac: {  	s5 =	simm.s32 @p0 $0x1B8D  }
0xad: {  	_ =	swait.eq @p0 [sflag:s5], $0x1  }
0xae: {  	[sflag:s5] =	ssyncadd.s32 @p0 $0xFFFFFFFF  }
0xaf: {  	s6 =	sshll.u32 @!p0 s1, $0xE  }
0xb0: {  	s6 =	sor.u32 @!p0 $0x4000, s6;
	s5 =	simm.s32 @!p0 $0x1B8D  }
0xb1: {  	s4 =	sshll.u32 @!p0 s4, $0x11;
	s6 =	sadd.s32 @!p0 $0x11B8D, s6;
	_ =	swait.eq @!p0 [sflag:s5], $0x1  }
0xb2: {  	s4 =	sor.u32 @!p0 s4, s6;
	[sflag:s5] =	ssyncadd.s32 @!p0 $0xFFFFFFFF  }
0xb3: {  	s25 =	simm.s32 $0x1B8E;
	s24 =	sld [smem:$0x3FFE];
	[sflag:s4] =	ssyncadd.remote.s32 @!p0 $0x1  }
0xb4: {  	s26 =	simm.s32 $execute0_lowered;
	[smem:$0x3FD2] =	sst s25  }
0xb5: {  	s5 =	sshll.u32 s26, $0x1;
	_ =	strace $0x80000049;
	[dreg:$0x1] =	wrdreg $0xFFFFFFFF  }
0xb6: {  	s28 =	simm.s32 $_size_execute0_lowered;
	s3 =	sadd.s32 s3, s5;
	[dreg:$0x0] =	wrdreg $0x0  }
0xb7: {  	s5 =	sshll.u32 s28, $0x1;
	[dreg:$0x2] =	wrdreg s3  }
0xb8: {  	[dreg:$0x3] =	wrdreg s5  }
0xb9: {  	[dreg:$0x4] =	wrdreg $0xC0  }
0xba: {  	_ =	task [dreg:s22], $0x5FFFF  }
0xbb: {  	[dreg:$0x1] =	wrdreg $0xFFFFFFFF  }
0xbc: {  	[dreg:$0x0] =	wrdreg $0x60  }
0xbd: {  	[dreg:$0x2] =	wrdreg s24  }
0xbe: {  	[dreg:$0x3] =	wrdreg $0x0  }
0xbf: {  	[dreg:$0x4] =	wrdreg $0x9  }
0xc0: {  	_ =	task.clear_ibuf [dreg:s22], $0x5FFFF;
	_ =	strace $0x90000049  }
0xc1: {  	s29 =	simm.s32 $0x9;
	_ =	strace $0x8000004B  }
0xc2: {  	_ =	swait.ge [sflag:s29], $0x1  }
0xc3: {  	[sflag:s29] =	ssyncadd.s32 $0xFFFFFFFF  }
0xc4: {  	_ =	strace $0x9000004B  }
0xc5: {  	_ =	sfence  }
0xc6: {  	s30 =	sld [smem:$0x0];
	_ =	sdelay $0x2  }
0xc7: {  	s31 =	sshll.u32 s1, $0xD;
	s1 =	sshrl.u32 s1, $0x2  }
0xc8: {  	s4 =	sand.u32 $0x4000, s31;
	s1 =	sadd.s32 s1, s30  }
0xc9: {  	s0 =	sor.u32 s4, s0;
	s1 =	sshll.u32 s1, $0x11  }
0xca: {  	s0 =	sor.u32 s1, s0  }
0xcb: {  	s0 =	sadd.s32 $0x8F2B, s0  }
0xcc: {  	[sflag:s0] =	ssyncadd.remote.s32 $0x1  }
0xcd: {  	_ =	sfence.sel $0xFFFF  }
0xce: {  	[dreg:$0x0] =	wrdreg $0xFFFFFFFF;
	(pc) =	sbr.abs _section_cstart, $3  }
0xcf: {  	[dreg:$0x1] =	wrdreg $0xFFFFFFFF  }
0xd0: {  	_ =	task.clear_ibuf [dreg:s22], $0x2FFFF;
	_ =	strace $0x9FFFFFFF  }
0xd1: {  	(tm) =	ssettm $0x7FFFFFFF  }
tec
execute0_lowered:
.L_overlay_start_1:
0x0: {  	(tag) =	ssettag $0x1  }
0x1: {  	s0 =	rddreg [dreg:$0x0]  }
0x2: {  	s3 =	simm.s32 $0x0;
	s2 =	srdreg.scid;
	s25 =	stileid.u32  }
0x3: {  	s28 =	simm.s32 $0x18880;
	s29 =	simm.s32 $0x50;
	s30 =	simm.s32 $0x16080  }
0x4: {  	s31 =	simm.s32 $0x18900;
	[smem:$0x7FF] =	sst s3;
	s7 =	smul.u32 $0x270, s25  }
0x5: {  	s2 =	sand.u32 $0x1, s2;
	s6 =	sadd.s32 $0x278000, s0;
	s13 =	smul.u32 $0x4E000, s25  }
0x6: {  	s0 =	sadd.s32 $0x9E400, s0;
	p0 =	sne.s32 s25, $0xF;
	s19 =	smul.u32 $0x2710, s2  }
0x7: {  	s1 =	rddreg [dreg:$0x1];
	_ =	strace $0x8000004A;
	s12 =	smul.u32 $0x138800, s2  }
0x8: {  	s4 =	sshll.u32 s2, $0x4;
	s5 =	ssub.s32 $0x2, s2;
	s2 =	smul.u32 $0x13880, s2  }
0x9: {  	s4 =	sor.u32 s25, s4;
	s8 =	sshrl.u32 s5, $0x1;
	s9 =	sadd.s32 $0x230, s7  }
0xa: {  	s22 =	sshrl.u32 s13, $0x2;
	s10 =	smul.u32 $0x1388, s4;
	s11 =	ssub.s32 s5, s8  }
0xb: {  	s18 =	sshll.u32 s9, $0x7;
	s5 =	sadd.s32 $0x138000, s1;
	s15 =	sadd.s32 s7, s19  }
0xc: {  	s20 =	sadd.s32 s19, s9;
	s21 =	sshrl.u32 s12, $0x3;
	s8 =	sadd.s32 s22, s1  }
0xd: {  	s4 =	sadd.s32 s18, s1;
	s7 =	sshll.u32 s20, $0x4;
	s23 =	sadd.s32 s0, s21  }
0xe: {  	s12 =	sadd.s32 $0x5000, s8;
	s13 =	sadd.s32 $0x7800, s8;
	s14 =	sadd.s32 $0xA000, s8  }
0xf: {  	s17 =	sshll.u32 s15, $0x4;
	s20 =	smul.u32 $0x1388, s25;
	s15 =	sadd.s32 $0xC800, s8  }
0x10: {  	s16 =	sadd.s32 $0xF000, s8;
	s25 =	simm.s32 $0x13880;
	s7 =	sadd.s32 s0, s7  }
0x11: {  	s10 =	sshrl.u32 s10, $0x3;
	s24 =	sadd.s32 $0x27000, s23;
	[dreg:$0x4] =	wrdreg s7  }
0x12: {  	s17 =	sadd.s32 s0, s17;
	s10 =	sadd.s32 s6, s10;
	[dreg:$0x5] =	wrdreg s24  }
0x13: {  	s18 =	sadd.s32 $0x500, s17;
	s19 =	sadd.s32 $0xA00, s17;
	s26 =	sadd.s32 s20, s2  }
0x14: {  	s20 =	sadd.s32 $0xF00, s17;
	s21 =	sadd.s32 $0x1400, s17;
	s22 =	sadd.s32 $0x1900, s17  }
0x15: {  	s23 =	sadd.s32 $0x1E00, s17;
	s2 =	simm.s32 $0x0;
	s10 =	sadd.s32 $0x26C, s10  }
0x16: {  	s0 =	sshrl.u32 s26, $0x3;
	s26 =	simm.s32 $0x1;
	[dreg:$0x3] =	wrdreg s10  }
0x17: {  	v0 =	vimm.f32 $0.0e+00;
	v1 =	vimm.f32 $1.000000000e+00;
	s10 =	smax.u32 s11, $0x1;
	s11 =	sadd.s32 $0x2800, s8;
	s24 =	sadd.s32 s0, s6  }
.LBB2_1:
0x18: {  	s0 =	simm.s32 $0x0;
	s6 =	simm.s32 $0x200  }
.LBB2_2:
0x19: {  	p1 =	sne.s32 s6, $0x9E00;
	[tilespmem:s0+$0x160F0] =	vst v1  }
0x1a: {  	[tilespmem:s0+$0x13880] =	vst v0  }
0x1b: {  	[tilespmem:s0+$0x16080] =	vst v1  }
0x1c: {  	[tilespmem:s0+$0x13890] =	vst v0  }
0x1d: {  	[tilespmem:s0+$0x16090] =	vst v1  }
0x1e: {  	[tilespmem:s0+$0x138A0] =	vst v0  }
0x1f: {  	[tilespmem:s0+$0x160A0] =	vst v1  }
0x20: {  	[tilespmem:s0+$0x138B0] =	vst v0  }
0x21: {  	[tilespmem:s0+$0x160B0] =	vst v1  }
0x22: {  	[tilespmem:s0+$0x138C0] =	vst v0  }
0x23: {  	[tilespmem:s0+$0x160C0] =	vst v1  }
.Ltmp0:
0x24: {  	[tilespmem:s0+$0x138D0] =	vst v0;
	(pc) =	sbr.rel @p1 .LBB2_2-.Ltmp0, $4  }
0x25: {  	[tilespmem:s0+$0x160D0] =	vst v1  }
0x26: {  	[tilespmem:s0+$0x138E0] =	vst v0  }
0x27: {  	[tilespmem:s0+$0x160E0] =	vst v1  }
0x28: {  	[tilespmem:s0+$0x138F0] =	vst v0;
	s0 =	sshra.s32 s6, $0x2;
	s6 =	sadd.s32 $0x200, s6  }
0x29: {  	[tilespmem:s0+$0x160F0] =	vst v1  }
0x2a: {  	[tilespmem:s0+$0x13880] =	vst v0  }
0x2b: {  	[tilespmem:s0+$0x16080] =	vst v1  }
0x2c: {  	[tilespmem:s0+$0x13890] =	vst v0  }
0x2d: {  	[tilespmem:s0+$0x16090] =	vst v1  }
0x2e: {  	[tilespmem:s0+$0x138A0] =	vst v0  }
0x2f: {  	[tilespmem:s0+$0x160A0] =	vst v1  }
0x30: {  	[tilespmem:s0+$0x138B0] =	vst v0  }
0x31: {  	[tilespmem:s0+$0x160B0] =	vst v1  }
0x32: {  	[tilespmem:s0+$0x138C0] =	vst v0  }
0x33: {  	[tilespmem:s0+$0x160C0] =	vst v1  }
0x34: {  	[tilespmem:s0+$0x138D0] =	vst v0  }
0x35: {  	[tilespmem:s0+$0x160D0] =	vst v1  }
0x36: {  	[tilespmem:s0+$0x138E0] =	vst v0  }
0x37: {  	[tilespmem:s0+$0x160E0] =	vst v1  }
0x38: {  	[tilespmem:s0+$0x138F0] =	vst v0  }
0x39: {  	[spmem:s8] =	stream.linear.scatter [tilespmem:s25], [sflag:$0x1], $0x2800, $0x38;
	[tilespmem:$0x18980] =	vst v63  }
0x3a: {  	_ =	swait.ge [sflag:s26], $0x2800  }
0x3b: {  	[sflag:s26] =	ssyncset.done $0x0  }
0x3c: {  	[sflag:s26] =	ssyncadd.s32 $0xFFFFD800  }
0x3d: {  	[spmem:s11] =	stream.linear.scatter [tilespmem:s25], [sflag:$0x1], $0x2800, $0x38;
	[tilespmem:$0x18980] =	vst v63  }
0x3e: {  	_ =	swait.ge [sflag:s26], $0x2800  }
0x3f: {  	[sflag:s26] =	ssyncset.done $0x0  }
0x40: {  	[sflag:s26] =	ssyncadd.s32 $0xFFFFD800  }
0x41: {  	[spmem:s12] =	stream.linear.scatter [tilespmem:s25], [sflag:$0x1], $0x2800, $0x38;
	[tilespmem:$0x18980] =	vst v63  }
0x42: {  	_ =	swait.ge [sflag:s26], $0x2800  }
0x43: {  	[sflag:s26] =	ssyncset.done $0x0  }
0x44: {  	[sflag:s26] =	ssyncadd.s32 $0xFFFFD800  }
0x45: {  	[spmem:s13] =	stream.linear.scatter [tilespmem:s25], [sflag:$0x1], $0x2800, $0x38;
	[tilespmem:$0x18980] =	vst v63  }
0x46: {  	_ =	swait.ge [sflag:s26], $0x2800  }
0x47: {  	[sflag:s26] =	ssyncset.done $0x0  }
0x48: {  	[sflag:s26] =	ssyncadd.s32 $0xFFFFD800  }
0x49: {  	[spmem:s14] =	stream.linear.scatter [tilespmem:s25], [sflag:$0x1], $0x2800, $0x38;
	[tilespmem:$0x18980] =	vst v63  }
0x4a: {  	_ =	swait.ge [sflag:s26], $0x2800  }
0x4b: {  	[sflag:s26] =	ssyncset.done $0x0  }
0x4c: {  	[sflag:s26] =	ssyncadd.s32 $0xFFFFD800  }
0x4d: {  	[spmem:s15] =	stream.linear.scatter [tilespmem:s25], [sflag:$0x1], $0x2800, $0x38;
	[tilespmem:$0x18980] =	vst v63  }
0x4e: {  	_ =	swait.ge [sflag:s26], $0x2800  }
0x4f: {  	[sflag:s26] =	ssyncset.done $0x0  }
0x50: {  	[sflag:s26] =	ssyncadd.s32 $0xFFFFD800  }
0x51: {  	[spmem:s16] =	stream.linear.scatter [tilespmem:s25], [sflag:$0x1], $0x2800, $0x38;
	[tilespmem:$0x18980] =	vst v63  }
0x52: {  	_ =	swait.ge [sflag:s26], $0x2800  }
0x53: {  	[sflag:s26] =	ssyncset.done $0x0  }
0x54: {  	[sflag:s26] =	ssyncadd.s32 $0xFFFFD800  }
0x55: {  	[spmem:s4] =	stream.linear.scatter [tilespmem:s25], [sflag:$0x1], $0x2000, $0x38;
	[tilespmem:$0x18980] =	vst v63  }
0x56: {  	_ =	swait.ge [sflag:s26], $0x2000  }
0x57: {  	[sflag:s26] =	ssyncset.done $0x0  }
0x58: {  	s0 =	simm.s32 @!p0 $0x13880;
	[sflag:s26] =	ssyncadd.s32 $0xFFFFE000  }
0x59: {  	[spmem:s5] =	stream.linear.scatter @!p0 [tilespmem:s0], [sflag:$0x1], $0x800, $0x38;
	[tilespmem:$0x18980] =	vst v63  }
0x5a: {  	s0 =	simm.s32 @!p0 $0x1  }
0x5b: {  	_ =	swait.ge @!p0 [sflag:s0], $0x800  }
0x5c: {  	[sflag:s0] =	ssyncset.done @!p0 $0x0  }
0x5d: {  	[sflag:s0] =	ssyncadd.s32 @!p0 $0xFFFFF800  }
0x5e: {  	s9 =	sadd.s32 $0x0, s24;
	[bflag:$0x0] =	sbarrier.arrive $0xFFFF  }
0x5f: {  	[tilespmem:s28], [sflag:$0x1] =	stream.linear.gather [hbm4b:s9+s3], $0x50, $0x38;
	[tilespmem:$0x18980] =	vst v63  }
0x60: {  	_ =	swait.ge [sflag:s26], $0x50  }
0x61: {  	[sflag:s26] =	ssyncset.done $0x0  }
0x62: {  	[sflag:s26] =	ssyncadd.s32 $0xFFFFFFB0  }
0x63: {  	[spmem:s1] =	stream.indirect.scatter.add.f32 [tilespmem:s30], [sflag:$0x1], $0x80, s28, s29, $0xb8;
	[tilespmem:$0x18980] =	vst v63  }
0x64: {  	_ =	swait.ge [sflag:s26], $0x2800  }
0x65: {  	s6 =	simm.s32 $0x14;
	s0 =	simm.s32 $0xA;
	[sflag:s26] =	ssyncset.done $0x0  }
.LBB2_4:
0x66: {  	s7 =	sadd.s32 s0, s24  }
0x67: {  	[sflag:s26] =	ssyncadd.s32 $0xFFFFD800;
	s0 =	smov.u32 s6;
	s9 =	sadd.s32 $0xA, s6  }
0x68: {  	[tilespmem:s28], [sflag:$0x1] =	stream.linear.gather [hbm4b:s7+s3], $0x50, $0x38;
	[tilespmem:$0x18980] =	vst v63  }
0x69: {  	p1 =	sne.s32 s6, $0x262;
	_ =	swait.ge [sflag:s26], $0x50  }
.Ltmp1:
0x6a: {  	[sflag:s26] =	ssyncset.done $0x0;
	(pc) =	sbr.rel @p1 .LBB2_4-.Ltmp1, $4  }
0x6b: {  	[sflag:s26] =	ssyncadd.s32 $0xFFFFFFB0  }
0x6c: {  	[spmem:s1] =	stream.indirect.scatter.add.f32 [tilespmem:s30], [sflag:$0x1], $0x80, s28, s29, $0xb8;
	[tilespmem:$0x18980] =	vst v63  }
0x6d: {  	_ =	swait.ge [sflag:s26], $0x2800  }
0x6e: {  	s6 =	smov.u32 s9;
	[sflag:s26] =	ssyncset.done $0x0  }
0x6f: {  	s0 =	sadd.s32 s0, s24;
	[sflag:s26] =	ssyncadd.s32 $0xFFFFD800  }
0x70: {  	[tilespmem:s28], [sflag:$0x1] =	stream.linear.gather [hbm4b:s0+s3], $0x50, $0x38;
	[tilespmem:$0x18980] =	vst v63  }
0x71: {  	_ =	swait.ge [sflag:s26], $0x50  }
0x72: {  	[sflag:s26] =	ssyncset.done $0x0  }
0x73: {  	[sflag:s26] =	ssyncadd.s32 $0xFFFFFFB0  }
0x74: {  	[spmem:s1] =	stream.indirect.scatter.add.f32 [tilespmem:s30], [sflag:$0x1], $0x80, s28, s29, $0xb8;
	[tilespmem:$0x18980] =	vst v63  }
0x75: {  	_ =	swait.ge [sflag:s26], $0x2800  }
0x76: {  	[sflag:s26] =	ssyncset.done $0x0  }
0x77: {  	s6 =	rddreg [dreg:$0x3];
	[sflag:s26] =	ssyncadd.s32 $0xFFFFD800  }
0x78: {  	[tilespmem:s31], [sflag:$0x1] =	stream.linear.gather [hbm4b:s6+s3], $0x28, $0x38;
	[tilespmem:$0x18980] =	vst v63  }
0x79: {  	_ =	swait.ge [sflag:s26], $0x28  }
0x7a: {  	[sflag:s26] =	ssyncset.done $0x0  }
0x7b: {  	s7 =	simm.s32 $0x28;
	[sflag:s26] =	ssyncadd.s32 $0xFFFFFFD8  }
0x7c: {  	[spmem:s1] =	stream.indirect.scatter.add.f32 [tilespmem:s30], [sflag:$0x1], $0x80, s31, s7, $0xb8;
	[tilespmem:$0x18980] =	vst v63  }
0x7d: {  	_ =	swait.ge [sflag:s26], $0x1400  }
0x7e: {  	[sflag:s26] =	ssyncset.done $0x0  }
0x7f: {  	[sflag:s26] =	ssyncadd.s32 $0xFFFFEC00  }
0x80: {  	[bflag:$0x0] =	sbarrier.arrive $0xFFFF  }
0x81: {  	[tilespmem:s25], [sflag:$0x1] =	stream.linear.gather [spmem:s8], $0x2800, $0x38;
	[tilespmem:$0x18980] =	vst v63  }
0x82: {  	_ =	swait.ge [sflag:s26], $0x2800  }
0x83: {  	[sflag:s26] =	ssyncset.done $0x0  }
0x84: {  	[sflag:s26] =	ssyncadd.s32 $0xFFFFD800  }
0x85: {  	[hbm4b:s17+s3] =	stream.linear.scatter [tilespmem:s25], [sflag:$0x1], $0x2800, $0x38;
	[tilespmem:$0x18980] =	vst v63  }
0x86: {  	_ =	swait.ge [sflag:s26], $0x2800  }
0x87: {  	[sflag:s26] =	ssyncset.done $0x0  }
0x88: {  	[sflag:s26] =	ssyncadd.s32 $0xFFFFD800  }
0x89: {  	[tilespmem:s25], [sflag:$0x1] =	stream.linear.gather [spmem:s11], $0x2800, $0x38;
	[tilespmem:$0x18980] =	vst v63  }
0x8a: {  	_ =	swait.ge [sflag:s26], $0x2800  }
0x8b: {  	[sflag:s26] =	ssyncset.done $0x0  }
0x8c: {  	[sflag:s26] =	ssyncadd.s32 $0xFFFFD800  }
0x8d: {  	[hbm4b:s18+s3] =	stream.linear.scatter [tilespmem:s25], [sflag:$0x1], $0x2800, $0x38;
	[tilespmem:$0x18980] =	vst v63  }
0x8e: {  	_ =	swait.ge [sflag:s26], $0x2800  }
0x8f: {  	[sflag:s26] =	ssyncset.done $0x0  }
0x90: {  	[sflag:s26] =	ssyncadd.s32 $0xFFFFD800  }
0x91: {  	[tilespmem:s25], [sflag:$0x1] =	stream.linear.gather [spmem:s12], $0x2800, $0x38;
	[tilespmem:$0x18980] =	vst v63  }
0x92: {  	_ =	swait.ge [sflag:s26], $0x2800  }
0x93: {  	[sflag:s26] =	ssyncset.done $0x0  }
0x94: {  	[sflag:s26] =	ssyncadd.s32 $0xFFFFD800  }
0x95: {  	[hbm4b:s19+s3] =	stream.linear.scatter [tilespmem:s25], [sflag:$0x1], $0x2800, $0x38;
	[tilespmem:$0x18980] =	vst v63  }
0x96: {  	_ =	swait.ge [sflag:s26], $0x2800  }
0x97: {  	[sflag:s26] =	ssyncset.done $0x0  }
0x98: {  	[sflag:s26] =	ssyncadd.s32 $0xFFFFD800  }
0x99: {  	[tilespmem:s25], [sflag:$0x1] =	stream.linear.gather [spmem:s13], $0x2800, $0x38;
	[tilespmem:$0x18980] =	vst v63  }
0x9a: {  	_ =	swait.ge [sflag:s26], $0x2800  }
0x9b: {  	[sflag:s26] =	ssyncset.done $0x0  }
0x9c: {  	[sflag:s26] =	ssyncadd.s32 $0xFFFFD800  }
0x9d: {  	[hbm4b:s20+s3] =	stream.linear.scatter [tilespmem:s25], [sflag:$0x1], $0x2800, $0x38;
	[tilespmem:$0x18980] =	vst v63  }
0x9e: {  	_ =	swait.ge [sflag:s26], $0x2800  }
0x9f: {  	[sflag:s26] =	ssyncset.done $0x0  }
0xa0: {  	[sflag:s26] =	ssyncadd.s32 $0xFFFFD800  }
0xa1: {  	[tilespmem:s25], [sflag:$0x1] =	stream.linear.gather [spmem:s14], $0x2800, $0x38;
	[tilespmem:$0x18980] =	vst v63  }
0xa2: {  	_ =	swait.ge [sflag:s26], $0x2800  }
0xa3: {  	[sflag:s26] =	ssyncset.done $0x0  }
0xa4: {  	[sflag:s26] =	ssyncadd.s32 $0xFFFFD800  }
0xa5: {  	[hbm4b:s21+s3] =	stream.linear.scatter [tilespmem:s25], [sflag:$0x1], $0x2800, $0x38;
	[tilespmem:$0x18980] =	vst v63  }
0xa6: {  	_ =	swait.ge [sflag:s26], $0x2800  }
0xa7: {  	[sflag:s26] =	ssyncset.done $0x0  }
0xa8: {  	[sflag:s26] =	ssyncadd.s32 $0xFFFFD800  }
0xa9: {  	[tilespmem:s25], [sflag:$0x1] =	stream.linear.gather [spmem:s15], $0x2800, $0x38;
	[tilespmem:$0x18980] =	vst v63  }
0xaa: {  	_ =	swait.ge [sflag:s26], $0x2800  }
0xab: {  	[sflag:s26] =	ssyncset.done $0x0  }
0xac: {  	[sflag:s26] =	ssyncadd.s32 $0xFFFFD800  }
0xad: {  	[hbm4b:s22+s3] =	stream.linear.scatter [tilespmem:s25], [sflag:$0x1], $0x2800, $0x38;
	[tilespmem:$0x18980] =	vst v63  }
0xae: {  	_ =	swait.ge [sflag:s26], $0x2800  }
0xaf: {  	[sflag:s26] =	ssyncset.done $0x0  }
0xb0: {  	[sflag:s26] =	ssyncadd.s32 $0xFFFFD800  }
0xb1: {  	[tilespmem:s25], [sflag:$0x1] =	stream.linear.gather [spmem:s16], $0x2800, $0x38;
	[tilespmem:$0x18980] =	vst v63  }
0xb2: {  	_ =	swait.ge [sflag:s26], $0x2800  }
0xb3: {  	[sflag:s26] =	ssyncset.done $0x0  }
0xb4: {  	[sflag:s26] =	ssyncadd.s32 $0xFFFFD800  }
0xb5: {  	[hbm4b:s23+s3] =	stream.linear.scatter [tilespmem:s25], [sflag:$0x1], $0x2800, $0x38;
	[tilespmem:$0x18980] =	vst v63  }
0xb6: {  	_ =	swait.ge [sflag:s26], $0x2800  }
0xb7: {  	[sflag:s26] =	ssyncset.done $0x0  }
0xb8: {  	[sflag:s26] =	ssyncadd.s32 $0xFFFFD800  }
0xb9: {  	[tilespmem:s25], [sflag:$0x1] =	stream.linear.gather [spmem:s4], $0x2000, $0x38;
	[tilespmem:$0x18980] =	vst v63  }
0xba: {  	_ =	swait.ge [sflag:s26], $0x2000  }
0xbb: {  	[sflag:s26] =	ssyncset.done $0x0  }
0xbc: {  	s9 =	rddreg [dreg:$0x4];
	[sflag:s26] =	ssyncadd.s32 $0xFFFFE000  }
0xbd: {  	[hbm4b:s9+s3] =	stream.linear.scatter [tilespmem:s25], [sflag:$0x1], $0x2000, $0x38;
	[tilespmem:$0x18980] =	vst v63  }
0xbe: {  	_ =	swait.ge [sflag:s26], $0x2000  }
0xbf: {  	[sflag:s26] =	ssyncset.done $0x0  }
0xc0: {  	s0 =	simm.s32 @!p0 $0x13880;
	s6 =	simm.s32 @!p0 $0x1;
	[sflag:s26] =	ssyncadd.s32 $0xFFFFE000  }
0xc1: {  	[tilespmem:s0], [sflag:$0x1] =	stream.linear.gather @!p0 [spmem:s5], $0x800, $0x38;
	[tilespmem:$0x18980] =	vst v63  }
0xc2: {  	s2 =	sadd.s32 $0x1, s2;
	_ =	swait.ge @!p0 [sflag:s6], $0x800  }
0xc3: {  	p1 =	sne.s32 s2, s10;
	s7 =	simm.s32 @!p0 $0x0;
	[sflag:s6] =	ssyncset.done @!p0 $0x0  }
.Ltmp2:
0xc4: {  	s9 =	rddreg [dreg:$0x5];
	[sflag:s6] =	ssyncadd.s32 @!p0 $0xFFFFF800;
	(pc) =	sbr.rel @p1 .LBB2_1-.Ltmp2, $4  }
0xc5: {  	[hbm4b:s9+s7] =	stream.linear.scatter @!p0 [tilespmem:s0], [sflag:$0x1], $0x800, $0x38;
	[tilespmem:$0x18980] =	vst v63  }
0xc6: {  	_ =	swait.ge @!p0 [sflag:s6], $0x800  }
0xc7: {  	[sflag:s6] =	ssyncset.done @!p0 $0x0  }
0xc8: {  	[sflag:s6] =	ssyncadd.s32 @!p0 $0xFFFFF800  }
0xc9: {  	_ =	sfence.sel $0x180000  }
0xca: {  	[bflag:$0x0] =	sbarrier.arrive $0xFFFF  }
0xcb: {  	_ =	strace $0x9000004A  }
0xcc: {  	s0 =	stileid.u32;
	[bflag:$0x2] =	sbarrier.arrive $0xFFFF  }
0xcd: {  	p0 =	sne.s32 s0, $0x0;
	s0 =	rddreg [dreg:$0x2]  }
0xce: {  	s0 =	sadd.s32 @!p0 $0x100000, s0  }
0xcf: {  	[sflag:s0] =	ssyncadd.tile.s32 @!p0 $0x1;
	_ =	shalt  }
.Lfunc_end2:
_tile_overlayer_lowered:
.L_overlay_start_2:
0xd0: {  	(tag) =	ssettag $0x2  }
0xd1: {  	s0 =	rddreg [dreg:$0x0];
	s2 =	stileid.u32  }
0xd2: {  	s1 =	rddreg [dreg:$0x1];
	p0 =	sne.s32 s2, $0x0  }
0xd3: {  	s3 =	rddreg [dreg:$0x2];
	[bflag:$0x3] =	sbarrier.arrive $0xFFFF;
	s2 =	simm.s32 @!p0 $0x1C01  }
0xd4: {  	[timem:s3], [sflag:s2] =	dma.local @!p0 [hbm:s0], s1  }
0xd5: {  	s0 =	simm.s32 @!p0 $0x1  }
0xd6: {  	_ =	swait.ge @!p0 [sflag:s0], s1  }
0xd7: {  	s1 =	ssub.s32 @!p0 $0x0, s1;
	[sflag:s0] =	ssyncset.done @!p0 $0x0  }
0xd8: {  	[sflag:s0] =	ssyncadd.s32 @!p0 s1  }
0xd9: {  	[bflag:$0x3] =	sbarrier.arrive $0xFFFF  }
0xda: {  	_ =	shalt  }

</sc_bundles>
